<compile_context>
chip_gen: v7x
topology: tpu7x:2x2x1
jax: 0.10.2.dev20260603
libtpu: 0.0.44.dev20260713+nightly
codegen_flags: <defaults>
</compile_context>

<pallas_src>
import functools

import jax
import jax.numpy as jnp
from jax import lax
from jax.experimental import pallas as pl
from jax.experimental.pallas import tpu as pltpu
from jax.experimental.pallas import tpu_sc as plsc

B = 128
N = 32768
M = N // 2

_info = plsc.get_sparse_core_info()
_NC, _NS, _L = _info.num_cores, _info.num_subcores, _info.num_lanes
_NW = _NC * _NS
_ROWS_PER_W = B // _NW

CHUNK = N // 2
_CPR = N // CHUNK
_NCH = _ROWS_PER_W * _CPR
RING = 4


def _sc_body(in_hbm, out_hbm, *scratch):
    in_bufs = scratch[0:RING]
    out_bufs = scratch[RING:2 * RING]
    in_sems = scratch[2 * RING:3 * RING]
    out_sems = scratch[3 * RING:4 * RING]

    wid = lax.axis_index("s") * _NC + lax.axis_index("c")
    base_row = wid * _ROWS_PER_W
    lane = lax.iota(jnp.int32, _L)

    def chunk_src(c):
        row = base_row + c // _CPR
        return in_hbm.at[row, pl.ds((c % _CPR) * CHUNK, CHUNK)]

    def chunk_dst(c):
        row = base_row + c // _CPR
        return out_hbm.at[row, pl.ds((c % _CPR) * (CHUNK // 2), CHUNK // 2)]

    def gather(src, dst):
        @plsc.parallel_loop(0, CHUNK // 2 // _L, unroll=8)
        def _(j):
            idx = (2 * _L) * j + 2 * lane
            dst[pl.ds(j * _L, _L)] = plsc.load_gather(src, [idx])

    in_cp = {}
    out_cp = {}
    for c in range(RING - 1):
        in_cp[c] = pltpu.async_copy(chunk_src(c), in_bufs[c % RING],
                                    in_sems[c % RING])
    for c in range(_NCH):
        p = c % RING
        in_cp[c].wait()
        nxt = c + RING - 1
        if nxt < _NCH:
            in_cp[nxt] = pltpu.async_copy(chunk_src(nxt), in_bufs[nxt % RING],
                                          in_sems[nxt % RING])
        if c >= RING:
            out_cp[c - RING].wait()
        gather(in_bufs[p], out_bufs[p])
        out_cp[c] = pltpu.async_copy(out_bufs[p], chunk_dst(c), out_sems[p])
    for c in range(_NCH - RING, _NCH):
        out_cp[c].wait()


@jax.jit
def kernel(inputs):
    mesh = plsc.VectorSubcoreMesh(core_axis_name="c", subcore_axis_name="s")
    f = functools.partial(
        pl.kernel,
        mesh=mesh,
        out_type=jax.ShapeDtypeStruct((B, M), jnp.float32),
        scratch_types=(
            [pltpu.VMEM((CHUNK,), jnp.float32) for _ in range(RING)]
            + [pltpu.VMEM((CHUNK // 2,), jnp.float32) for _ in range(RING)]
            + [pltpu.SemaphoreType.DMA for _ in range(2 * RING)]
        ),
        compiler_params=pltpu.CompilerParams(needs_layout_passes=False),
    )(_sc_body)
    return f(inputs)

# --- scband reference (transcript-rebuilt; emitter-appended) ---
"""Pipeline reference for scband-bool-mask-74320114090442 (READ-ONLY COPY).

The authoritative reference and input builder live on the scoring server;
editing this copy changes nothing except your own understanding.
"""

import jax, jax.numpy as jnp
import numpy as np

N = 32768
B = 128
# Boolean mask constructor arg: alternating True/False pattern (half the columns kept)
_mask_np = (np.arange(N) % 2 == 0)
_idx_np = np.where(_mask_np)[0].astype(np.int32)  # static gather indices, shape [N//2]


def setup_inputs(seed: int = 0) -> dict:
    key = jax.random.key(seed)
    inputs = jax.random.normal(key, (B, N), dtype=jnp.float32)
    return {"inputs": inputs}


def reference(inputs):
    # Faithful translation of BoolMask.call: tf.boolean_mask(inputs, mask, axis=1)
    # followed by reshape to [batch, mask.sum()]. With a static boolean mask this
    # is exactly a column gather with the precomputed True indices.
    idx = jnp.asarray(_idx_np, dtype=jnp.int32)
    out = jnp.take(inputs, idx, axis=1)
    return jnp.reshape(out, (inputs.shape[0], _idx_np.shape[0]))

if __name__ == "__main__":
    import jax
    _d = setup_inputs()
    print(jax.jit(kernel)(*tuple(_d.values())))

</pallas_src>

<mosaic_0001>
#map = affine_map<(d0, d1) -> (0, 0)>
module attributes {stable_mosaic.version = 14 : i64} {
  func.func @_sc_body(%arg0: i32, %arg1: i32, %arg2: memref<128x32768xf32, #tpu.memory_space<hbm>>, %arg3: memref<128x16384xf32, #tpu.memory_space<hbm>>, %arg4: memref<16384xf32, #tpu.memory_space<vmem>>, %arg5: memref<16384xf32, #tpu.memory_space<vmem>>, %arg6: memref<16384xf32, #tpu.memory_space<vmem>>, %arg7: memref<16384xf32, #tpu.memory_space<vmem>>, %arg8: memref<8192xf32, #tpu.memory_space<vmem>>, %arg9: memref<8192xf32, #tpu.memory_space<vmem>>, %arg10: memref<8192xf32, #tpu.memory_space<vmem>>, %arg11: memref<8192xf32, #tpu.memory_space<vmem>>, %arg12: memref<!tpu.dma_semaphore, #tpu.memory_space<semaphore_mem>>, %arg13: memref<!tpu.dma_semaphore, #tpu.memory_space<semaphore_mem>>, %arg14: memref<!tpu.dma_semaphore, #tpu.memory_space<semaphore_mem>>, %arg15: memref<!tpu.dma_semaphore, #tpu.memory_space<semaphore_mem>>, %arg16: memref<!tpu.dma_semaphore, #tpu.memory_space<semaphore_mem>>, %arg17: memref<!tpu.dma_semaphore, #tpu.memory_space<semaphore_mem>>, %arg18: memref<!tpu.dma_semaphore, #tpu.memory_space<semaphore_mem>>, %arg19: memref<!tpu.dma_semaphore, #tpu.memory_space<semaphore_mem>>) attributes {dimension_semantics = [#tpu.dimension_semantics<core_parallel>, #tpu.dimension_semantics<subcore_parallel>], iteration_bounds = array<i64: 2, 16>, scalar_prefetch = 0 : i64, scratch_operands = 16 : i64, tpu.core_type = #tpu.core_type<sc_vector_subcore>, window_params = [{transform_indices = #map}, {transform_indices = #map}]} {
    %mul3A = arith.constant 2 : i32
    %mul3A_0 = arith.muli %arg1, %mul3A : i32
    %add3A = arith.addi %mul3A_0, %arg0 : i32
    %mul3A_1 = arith.constant 4 : i32
    %mul3A_2 = arith.muli %add3A, %mul3A_1 : i32
    %iota3A = tpu.iota {dimensions = array<i32: 0>} : vector<16xi32>
    %add3A_3 = arith.constant 0 : i32
    %add3A_4 = arith.addi %mul3A_2, %add3A_3 : i32
    %dma_start3A = arith.constant 0 : i32
    %dma_start3A_5 = tpu.memref_slice %arg2[%add3A_4, %dma_start3A] : memref<128x32768xf32, #tpu.memory_space<hbm>> -> memref<1x16384xf32, #tpu.memory_space<hbm>>
    %dma_start3A_6 = tpu.memref_squeeze %dma_start3A_5 : memref<1x16384xf32, #tpu.memory_space<hbm>> -> memref<16384xf32, #tpu.memory_space<hbm>>
    %dma_start3A_7 = arith.constant 0 : i32
    %dma_start3A_8 = tpu.memref_slice %arg2[%add3A_4, %dma_start3A_7] : memref<128x32768xf32, #tpu.memory_space<hbm>> -> memref<1x16384xf32, #tpu.memory_space<hbm>>
    %dma_start3A_9 = tpu.memref_squeeze %dma_start3A_8 : memref<1x16384xf32, #tpu.memory_space<hbm>> -> memref<16384xf32, #tpu.memory_space<hbm>>
    tpu.enqueue_dma source(%dma_start3A_9 : memref<16384xf32, #tpu.memory_space<hbm>>) target(%arg4 : memref<16384xf32, #tpu.memory_space<vmem>>) target_semaphore(%arg12 : memref<!tpu.dma_semaphore, #tpu.memory_space<semaphore_mem>>)
    %add3A_10 = arith.constant 0 : i32
    %add3A_11 = arith.addi %mul3A_2, %add3A_10 : i32
    %dma_start3A_12 = arith.constant 16384 : i32
    %dma_start3A_13 = tpu.memref_slice %arg2[%add3A_11, %dma_start3A_12] : memref<128x32768xf32, #tpu.memory_space<hbm>> -> memref<1x16384xf32, #tpu.memory_space<hbm>>
    %dma_start3A_14 = tpu.memref_squeeze %dma_start3A_13 : memref<1x16384xf32, #tpu.memory_space<hbm>> -> memref<16384xf32, #tpu.memory_space<hbm>>
    %dma_start3A_15 = arith.constant 16384 : i32
    %dma_start3A_16 = tpu.memref_slice %arg2[%add3A_11, %dma_start3A_15] : memref<128x32768xf32, #tpu.memory_space<hbm>> -> memref<1x16384xf32, #tpu.memory_space<hbm>>
    %dma_start3A_17 = tpu.memref_squeeze %dma_start3A_16 : memref<1x16384xf32, #tpu.memory_space<hbm>> -> memref<16384xf32, #tpu.memory_space<hbm>>
    tpu.enqueue_dma source(%dma_start3A_17 : memref<16384xf32, #tpu.memory_space<hbm>>) target(%arg5 : memref<16384xf32, #tpu.memory_space<vmem>>) target_semaphore(%arg13 : memref<!tpu.dma_semaphore, #tpu.memory_space<semaphore_mem>>)
    %add3A_18 = arith.constant 1 : i32
    %add3A_19 = arith.addi %mul3A_2, %add3A_18 : i32
    %dma_start3A_20 = arith.constant 0 : i32
    %dma_start3A_21 = tpu.memref_slice %arg2[%add3A_19, %dma_start3A_20] : memref<128x32768xf32, #tpu.memory_space<hbm>> -> memref<1x16384xf32, #tpu.memory_space<hbm>>
    %dma_start3A_22 = tpu.memref_squeeze %dma_start3A_21 : memref<1x16384xf32, #tpu.memory_space<hbm>> -> memref<16384xf32, #tpu.memory_space<hbm>>
    %dma_start3A_23 = arith.constant 0 : i32
    %dma_start3A_24 = tpu.memref_slice %arg2[%add3A_19, %dma_start3A_23] : memref<128x32768xf32, #tpu.memory_space<hbm>> -> memref<1x16384xf32, #tpu.memory_space<hbm>>
    %dma_start3A_25 = tpu.memref_squeeze %dma_start3A_24 : memref<1x16384xf32, #tpu.memory_space<hbm>> -> memref<16384xf32, #tpu.memory_space<hbm>>
    tpu.enqueue_dma source(%dma_start3A_25 : memref<16384xf32, #tpu.memory_space<hbm>>) target(%arg6 : memref<16384xf32, #tpu.memory_space<vmem>>) target_semaphore(%arg14 : memref<!tpu.dma_semaphore, #tpu.memory_space<semaphore_mem>>)
    %dma_wait3A = arith.constant 0 : i32
    %dma_wait3A_26 = tpu.memref_slice %arg2[%add3A_4, %dma_wait3A] : memref<128x32768xf32, #tpu.memory_space<hbm>> -> memref<1x16384xf32, #tpu.memory_space<hbm>>
    %dma_wait3A_27 = tpu.memref_squeeze %dma_wait3A_26 : memref<1x16384xf32, #tpu.memory_space<hbm>> -> memref<16384xf32, #tpu.memory_space<hbm>>
    %dma_wait3A_28 = arith.constant 0 : i32
    %dma_wait3A_29 = tpu.memref_slice %arg2[%add3A_4, %dma_wait3A_28] : memref<128x32768xf32, #tpu.memory_space<hbm>> -> memref<1x16384xf32, #tpu.memory_space<hbm>>
    %dma_wait3A_30 = tpu.memref_squeeze %dma_wait3A_29 : memref<1x16384xf32, #tpu.memory_space<hbm>> -> memref<16384xf32, #tpu.memory_space<hbm>>
    tpu.wait_dma2 semaphore(%arg12 : memref<!tpu.dma_semaphore, #tpu.memory_space<semaphore_mem>>) src(%dma_wait3A_30 : memref<16384xf32, #tpu.memory_space<hbm>>) dst(%arg4 : memref<16384xf32, #tpu.memory_space<vmem>>)
    %add3A_31 = arith.constant 1 : i32
    %add3A_32 = arith.addi %mul3A_2, %add3A_31 : i32
    %dma_start3A_33 = arith.constant 16384 : i32
    %dma_start3A_34 = tpu.memref_slice %arg2[%add3A_32, %dma_start3A_33] : memref<128x32768xf32, #tpu.memory_space<hbm>> -> memref<1x16384xf32, #tpu.memory_space<hbm>>
    %dma_start3A_35 = tpu.memref_squeeze %dma_start3A_34 : memref<1x16384xf32, #tpu.memory_space<hbm>> -> memref<16384xf32, #tpu.memory_space<hbm>>
    %dma_start3A_36 = arith.constant 16384 : i32
    %dma_start3A_37 = tpu.memref_slice %arg2[%add3A_32, %dma_start3A_36] : memref<128x32768xf32, #tpu.memory_space<hbm>> -> memref<1x16384xf32, #tpu.memory_space<hbm>>
    %dma_start3A_38 = tpu.memref_squeeze %dma_start3A_37 : memref<1x16384xf32, #tpu.memory_space<hbm>> -> memref<16384xf32, #tpu.memory_space<hbm>>
    tpu.enqueue_dma source(%dma_start3A_38 : memref<16384xf32, #tpu.memory_space<hbm>>) target(%arg7 : memref<16384xf32, #tpu.memory_space<vmem>>) target_semaphore(%arg15 : memref<!tpu.dma_semaphore, #tpu.memory_space<semaphore_mem>>)
    %parallel_loop3A = arith.constant 0 : i32
    %parallel_loop3A_39 = arith.constant 512 : i32
    %parallel_loop3A_40 = arith.constant 1 : i32
    scf.for %parallel_loop3A_248 = %parallel_loop3A to %parallel_loop3A_39 step %parallel_loop3A_40  : i32 {
      %parallel_loop3A_249 = arith.constant 32 : i32
      %parallel_loop3A_250 = arith.muli %parallel_loop3A_249, %parallel_loop3A_248 : i32
      %parallel_loop3A_251 = arith.constant 2 : i32
      %parallel_loop3A_252 = vector.broadcast %parallel_loop3A_251 : i32 to vector<16xi32>
      %parallel_loop3A_253 = arith.muli %parallel_loop3A_252, %iota3A : vector<16xi32>
      %parallel_loop3A_254 = vector.broadcast %parallel_loop3A_250 : i32 to vector<16xi32>
      %parallel_loop3A_255 = arith.addi %parallel_loop3A_254, %parallel_loop3A_253 : vector<16xi32>
      %parallel_loop3A_256 = tpu.vector_load_idx %arg4[%parallel_loop3A_255] : memref<16384xf32, #tpu.memory_space<vmem>>[vector<16xi32>], vector<16xf32>,
      %parallel_loop3A_257 = arith.constant 16 : i32
      %parallel_loop3A_258 = arith.muli %parallel_loop3A_248, %parallel_loop3A_257 : i32
      %parallel_loop3A_259 = arith.index_cast %parallel_loop3A_258 : i32 to index
      %parallel_loop3A_260 = tpu.vector_load %arg8[%parallel_loop3A_259] {strides = array<i32>} : memref<8192xf32, #tpu.memory_space<vmem>>, vector<16xf32>,
      tpu.vector_store %arg8[%parallel_loop3A_259], %parallel_loop3A_256 {strides = array<i32>} : memref<8192xf32, #tpu.memory_space<vmem>>, vector<16xf32>,
    } {sc.loop_unroll_factor = 8 : i64, sc.parallel_access}
    %add3A_41 = arith.constant 0 : i32
    %add3A_42 = arith.addi %mul3A_2, %add3A_41 : i32
    %dma_start3A_43 = arith.constant 0 : i32
    %dma_start3A_44 = tpu.memref_slice %arg3[%add3A_42, %dma_start3A_43] : memref<128x16384xf32, #tpu.memory_space<hbm>> -> memref<1x8192xf32, #tpu.memory_space<hbm>>
    %dma_start3A_45 = tpu.memref_squeeze %dma_start3A_44 : memref<1x8192xf32, #tpu.memory_space<hbm>> -> memref<8192xf32, #tpu.memory_space<hbm>>
    %dma_start3A_46 = arith.constant 0 : i32
    %dma_start3A_47 = tpu.memref_slice %arg3[%add3A_42, %dma_start3A_46] : memref<128x16384xf32, #tpu.memory_space<hbm>> -> memref<1x8192xf32, #tpu.memory_space<hbm>>
    %dma_start3A_48 = tpu.memref_squeeze %dma_start3A_47 : memref<1x8192xf32, #tpu.memory_space<hbm>> -> memref<8192xf32, #tpu.memory_space<hbm>>
    tpu.enqueue_dma source(%arg8 : memref<8192xf32, #tpu.memory_space<vmem>>) target(%dma_start3A_48 : memref<8192xf32, #tpu.memory_space<hbm>>) target_semaphore(%arg16 : memref<!tpu.dma_semaphore, #tpu.memory_space<semaphore_mem>>)
    %dma_wait3A_49 = arith.constant 16384 : i32
    %dma_wait3A_50 = tpu.memref_slice %arg2[%add3A_11, %dma_wait3A_49] : memref<128x32768xf32, #tpu.memory_space<hbm>> -> memref<1x16384xf32, #tpu.memory_space<hbm>>
    %dma_wait3A_51 = tpu.memref_squeeze %dma_wait3A_50 : memref<1x16384xf32, #tpu.memory_space<hbm>> -> memref<16384xf32, #tpu.memory_space<hbm>>
    %dma_wait3A_52 = arith.constant 16384 : i32
    %dma_wait3A_53 = tpu.memref_slice %arg2[%add3A_11, %dma_wait3A_52] : memref<128x32768xf32, #tpu.memory_space<hbm>> -> memref<1x16384xf32, #tpu.memory_space<hbm>>
    %dma_wait3A_54 = tpu.memref_squeeze %dma_wait3A_53 : memref<1x16384xf32, #tpu.memory_space<hbm>> -> memref<16384xf32, #tpu.memory_space<hbm>>
    tpu.wait_dma2 semaphore(%arg13 : memref<!tpu.dma_semaphore, #tpu.memory_space<semaphore_mem>>) src(%dma_wait3A_54 : memref<16384xf32, #tpu.memory_space<hbm>>) dst(%arg5 : memref<16384xf32, #tpu.memory_space<vmem>>)
    %add3A_55 = arith.constant 2 : i32
    %add3A_56 = arith.addi %mul3A_2, %add3A_55 : i32
    %dma_start3A_57 = arith.constant 0 : i32
    %dma_start3A_58 = tpu.memref_slice %arg2[%add3A_56, %dma_start3A_57] : memref<128x32768xf32, #tpu.memory_space<hbm>> -> memref<1x16384xf32, #tpu.memory_space<hbm>>
    %dma_start3A_59 = tpu.memref_squeeze %dma_start3A_58 : memref<1x16384xf32, #tpu.memory_space<hbm>> -> memref<16384xf32, #tpu.memory_space<hbm>>
    %dma_start3A_60 = arith.constant 0 : i32
    %dma_start3A_61 = tpu.memref_slice %arg2[%add3A_56, %dma_start3A_60] : memref<128x32768xf32, #tpu.memory_space<hbm>> -> memref<1x16384xf32, #tpu.memory_space<hbm>>
    %dma_start3A_62 = tpu.memref_squeeze %dma_start3A_61 : memref<1x16384xf32, #tpu.memory_space<hbm>> -> memref<16384xf32, #tpu.memory_space<hbm>>
    tpu.enqueue_dma source(%dma_start3A_62 : memref<16384xf32, #tpu.memory_space<hbm>>) target(%arg4 : memref<16384xf32, #tpu.memory_space<vmem>>) target_semaphore(%arg12 : memref<!tpu.dma_semaphore, #tpu.memory_space<semaphore_mem>>)
    %parallel_loop3A_63 = arith.constant 0 : i32
    %parallel_loop3A_64 = arith.constant 512 : i32
    %parallel_loop3A_65 = arith.constant 1 : i32
    scf.for %parallel_loop3A_248 = %parallel_loop3A_63 to %parallel_loop3A_64 step %parallel_loop3A_65  : i32 {
      %parallel_loop3A_249 = arith.constant 32 : i32
      %parallel_loop3A_250 = arith.muli %parallel_loop3A_249, %parallel_loop3A_248 : i32
      %parallel_loop3A_251 = arith.constant 2 : i32
      %parallel_loop3A_252 = vector.broadcast %parallel_loop3A_251 : i32 to vector<16xi32>
      %parallel_loop3A_253 = arith.muli %parallel_loop3A_252, %iota3A : vector<16xi32>
      %parallel_loop3A_254 = vector.broadcast %parallel_loop3A_250 : i32 to vector<16xi32>
      %parallel_loop3A_255 = arith.addi %parallel_loop3A_254, %parallel_loop3A_253 : vector<16xi32>
      %parallel_loop3A_256 = tpu.vector_load_idx %arg5[%parallel_loop3A_255] : memref<16384xf32, #tpu.memory_space<vmem>>[vector<16xi32>], vector<16xf32>,
      %parallel_loop3A_257 = arith.constant 16 : i32
      %parallel_loop3A_258 = arith.muli %parallel_loop3A_248, %parallel_loop3A_257 : i32
      %parallel_loop3A_259 = arith.index_cast %parallel_loop3A_258 : i32 to index
      %parallel_loop3A_260 = tpu.vector_load %arg9[%parallel_loop3A_259] {strides = array<i32>} : memref<8192xf32, #tpu.memory_space<vmem>>, vector<16xf32>,
      tpu.vector_store %arg9[%parallel_loop3A_259], %parallel_loop3A_256 {strides = array<i32>} : memref<8192xf32, #tpu.memory_space<vmem>>, vector<16xf32>,
    } {sc.loop_unroll_factor = 8 : i64, sc.parallel_access}
    %add3A_66 = arith.constant 0 : i32
    %add3A_67 = arith.addi %mul3A_2, %add3A_66 : i32
    %dma_start3A_68 = arith.constant 8192 : i32
    %dma_start3A_69 = tpu.memref_slice %arg3[%add3A_67, %dma_start3A_68] : memref<128x16384xf32, #tpu.memory_space<hbm>> -> memref<1x8192xf32, #tpu.memory_space<hbm>>
    %dma_start3A_70 = tpu.memref_squeeze %dma_start3A_69 : memref<1x8192xf32, #tpu.memory_space<hbm>> -> memref<8192xf32, #tpu.memory_space<hbm>>
    %dma_start3A_71 = arith.constant 8192 : i32
    %dma_start3A_72 = tpu.memref_slice %arg3[%add3A_67, %dma_start3A_71] : memref<128x16384xf32, #tpu.memory_space<hbm>> -> memref<1x8192xf32, #tpu.memory_space<hbm>>
    %dma_start3A_73 = tpu.memref_squeeze %dma_start3A_72 : memref<1x8192xf32, #tpu.memory_space<hbm>> -> memref<8192xf32, #tpu.memory_space<hbm>>
    tpu.enqueue_dma source(%arg9 : memref<8192xf32, #tpu.memory_space<vmem>>) target(%dma_start3A_73 : memref<8192xf32, #tpu.memory_space<hbm>>) target_semaphore(%arg17 : memref<!tpu.dma_semaphore, #tpu.memory_space<semaphore_mem>>)
    %dma_wait3A_74 = arith.constant 0 : i32
    %dma_wait3A_75 = tpu.memref_slice %arg2[%add3A_19, %dma_wait3A_74] : memref<128x32768xf32, #tpu.memory_space<hbm>> -> memref<1x16384xf32, #tpu.memory_space<hbm>>
    %dma_wait3A_76 = tpu.memref_squeeze %dma_wait3A_75 : memref<1x16384xf32, #tpu.memory_space<hbm>> -> memref<16384xf32, #tpu.memory_space<hbm>>
    %dma_wait3A_77 = arith.constant 0 : i32
    %dma_wait3A_78 = tpu.memref_slice %arg2[%add3A_19, %dma_wait3A_77] : memref<128x32768xf32, #tpu.memory_space<hbm>> -> memref<1x16384xf32, #tpu.memory_space<hbm>>
    %dma_wait3A_79 = tpu.memref_squeeze %dma_wait3A_78 : memref<1x16384xf32, #tpu.memory_space<hbm>> -> memref<16384xf32, #tpu.memory_space<hbm>>
    tpu.wait_dma2 semaphore(%arg14 : memref<!tpu.dma_semaphore, #tpu.memory_space<semaphore_mem>>) src(%dma_wait3A_79 : memref<16384xf32, #tpu.memory_space<hbm>>) dst(%arg6 : memref<16384xf32, #tpu.memory_space<vmem>>)
    %add3A_80 = arith.constant 2 : i32
    %add3A_81 = arith.addi %mul3A_2, %add3A_80 : i32
    %dma_start3A_82 = arith.constant 16384 : i32
    %dma_start3A_83 = tpu.memref_slice %arg2[%add3A_81, %dma_start3A_82] : memref<128x32768xf32, #tpu.memory_space<hbm>> -> memref<1x16384xf32, #tpu.memory_space<hbm>>
    %dma_start3A_84 = tpu.memref_squeeze %dma_start3A_83 : memref<1x16384xf32, #tpu.memory_space<hbm>> -> memref<16384xf32, #tpu.memory_space<hbm>>
    %dma_start3A_85 = arith.constant 16384 : i32
    %dma_start3A_86 = tpu.memref_slice %arg2[%add3A_81, %dma_start3A_85] : memref<128x32768xf32, #tpu.memory_space<hbm>> -> memref<1x16384xf32, #tpu.memory_space<hbm>>
    %dma_start3A_87 = tpu.memref_squeeze %dma_start3A_86 : memref<1x16384xf32, #tpu.memory_space<hbm>> -> memref<16384xf32, #tpu.memory_space<hbm>>
    tpu.enqueue_dma source(%dma_start3A_87 : memref<16384xf32, #tpu.memory_space<hbm>>) target(%arg5 : memref<16384xf32, #tpu.memory_space<vmem>>) target_semaphore(%arg13 : memref<!tpu.dma_semaphore, #tpu.memory_space<semaphore_mem>>)
    %parallel_loop3A_88 = arith.constant 0 : i32
    %parallel_loop3A_89 = arith.constant 512 : i32
    %parallel_loop3A_90 = arith.constant 1 : i32
    scf.for %parallel_loop3A_248 = %parallel_loop3A_88 to %parallel_loop3A_89 step %parallel_loop3A_90  : i32 {
      %parallel_loop3A_249 = arith.constant 32 : i32
      %parallel_loop3A_250 = arith.muli %parallel_loop3A_249, %parallel_loop3A_248 : i32
      %parallel_loop3A_251 = arith.constant 2 : i32
      %parallel_loop3A_252 = vector.broadcast %parallel_loop3A_251 : i32 to vector<16xi32>
      %parallel_loop3A_253 = arith.muli %parallel_loop3A_252, %iota3A : vector<16xi32>
      %parallel_loop3A_254 = vector.broadcast %parallel_loop3A_250 : i32 to vector<16xi32>
      %parallel_loop3A_255 = arith.addi %parallel_loop3A_254, %parallel_loop3A_253 : vector<16xi32>
      %parallel_loop3A_256 = tpu.vector_load_idx %arg6[%parallel_loop3A_255] : memref<16384xf32, #tpu.memory_space<vmem>>[vector<16xi32>], vector<16xf32>,
      %parallel_loop3A_257 = arith.constant 16 : i32
      %parallel_loop3A_258 = arith.muli %parallel_loop3A_248, %parallel_loop3A_257 : i32
      %parallel_loop3A_259 = arith.index_cast %parallel_loop3A_258 : i32 to index
      %parallel_loop3A_260 = tpu.vector_load %arg10[%parallel_loop3A_259] {strides = array<i32>} : memref<8192xf32, #tpu.memory_space<vmem>>, vector<16xf32>,
      tpu.vector_store %arg10[%parallel_loop3A_259], %parallel_loop3A_256 {strides = array<i32>} : memref<8192xf32, #tpu.memory_space<vmem>>, vector<16xf32>,
    } {sc.loop_unroll_factor = 8 : i64, sc.parallel_access}
    %add3A_91 = arith.constant 1 : i32
    %add3A_92 = arith.addi %mul3A_2, %add3A_91 : i32
    %dma_start3A_93 = arith.constant 0 : i32
    %dma_start3A_94 = tpu.memref_slice %arg3[%add3A_92, %dma_start3A_93] : memref<128x16384xf32, #tpu.memory_space<hbm>> -> memref<1x8192xf32, #tpu.memory_space<hbm>>
    %dma_start3A_95 = tpu.memref_squeeze %dma_start3A_94 : memref<1x8192xf32, #tpu.memory_space<hbm>> -> memref<8192xf32, #tpu.memory_space<hbm>>
    %dma_start3A_96 = arith.constant 0 : i32
    %dma_start3A_97 = tpu.memref_slice %arg3[%add3A_92, %dma_start3A_96] : memref<128x16384xf32, #tpu.memory_space<hbm>> -> memref<1x8192xf32, #tpu.memory_space<hbm>>
    %dma_start3A_98 = tpu.memref_squeeze %dma_start3A_97 : memref<1x8192xf32, #tpu.memory_space<hbm>> -> memref<8192xf32, #tpu.memory_space<hbm>>
    tpu.enqueue_dma source(%arg10 : memref<8192xf32, #tpu.memory_space<vmem>>) target(%dma_start3A_98 : memref<8192xf32, #tpu.memory_space<hbm>>) target_semaphore(%arg18 : memref<!tpu.dma_semaphore, #tpu.memory_space<semaphore_mem>>)
    %dma_wait3A_99 = arith.constant 16384 : i32
    %dma_wait3A_100 = tpu.memref_slice %arg2[%add3A_32, %dma_wait3A_99] : memref<128x32768xf32, #tpu.memory_space<hbm>> -> memref<1x16384xf32, #tpu.memory_space<hbm>>
    %dma_wait3A_101 = tpu.memref_squeeze %dma_wait3A_100 : memref<1x16384xf32, #tpu.memory_space<hbm>> -> memref<16384xf32, #tpu.memory_space<hbm>>
    %dma_wait3A_102 = arith.constant 16384 : i32
    %dma_wait3A_103 = tpu.memref_slice %arg2[%add3A_32, %dma_wait3A_102] : memref<128x32768xf32, #tpu.memory_space<hbm>> -> memref<1x16384xf32, #tpu.memory_space<hbm>>
    %dma_wait3A_104 = tpu.memref_squeeze %dma_wait3A_103 : memref<1x16384xf32, #tpu.memory_space<hbm>> -> memref<16384xf32, #tpu.memory_space<hbm>>
    tpu.wait_dma2 semaphore(%arg15 : memref<!tpu.dma_semaphore, #tpu.memory_space<semaphore_mem>>) src(%dma_wait3A_104 : memref<16384xf32, #tpu.memory_space<hbm>>) dst(%arg7 : memref<16384xf32, #tpu.memory_space<vmem>>)
    %add3A_105 = arith.constant 3 : i32
    %add3A_106 = arith.addi %mul3A_2, %add3A_105 : i32
    %dma_start3A_107 = arith.constant 0 : i32
    %dma_start3A_108 = tpu.memref_slice %arg2[%add3A_106, %dma_start3A_107] : memref<128x32768xf32, #tpu.memory_space<hbm>> -> memref<1x16384xf32, #tpu.memory_space<hbm>>
    %dma_start3A_109 = tpu.memref_squeeze %dma_start3A_108 : memref<1x16384xf32, #tpu.memory_space<hbm>> -> memref<16384xf32, #tpu.memory_space<hbm>>
    %dma_start3A_110 = arith.constant 0 : i32
    %dma_start3A_111 = tpu.memref_slice %arg2[%add3A_106, %dma_start3A_110] : memref<128x32768xf32, #tpu.memory_space<hbm>> -> memref<1x16384xf32, #tpu.memory_space<hbm>>
    %dma_start3A_112 = tpu.memref_squeeze %dma_start3A_111 : memref<1x16384xf32, #tpu.memory_space<hbm>> -> memref<16384xf32, #tpu.memory_space<hbm>>
    tpu.enqueue_dma source(%dma_start3A_112 : memref<16384xf32, #tpu.memory_space<hbm>>) target(%arg6 : memref<16384xf32, #tpu.memory_space<vmem>>) target_semaphore(%arg14 : memref<!tpu.dma_semaphore, #tpu.memory_space<semaphore_mem>>)
    %parallel_loop3A_113 = arith.constant 0 : i32
    %parallel_loop3A_114 = arith.constant 512 : i32
    %parallel_loop3A_115 = arith.constant 1 : i32
    scf.for %parallel_loop3A_248 = %parallel_loop3A_113 to %parallel_loop3A_114 step %parallel_loop3A_115  : i32 {
      %parallel_loop3A_249 = arith.constant 32 : i32
      %parallel_loop3A_250 = arith.muli %parallel_loop3A_249, %parallel_loop3A_248 : i32
      %parallel_loop3A_251 = arith.constant 2 : i32
      %parallel_loop3A_252 = vector.broadcast %parallel_loop3A_251 : i32 to vector<16xi32>
      %parallel_loop3A_253 = arith.muli %parallel_loop3A_252, %iota3A : vector<16xi32>
      %parallel_loop3A_254 = vector.broadcast %parallel_loop3A_250 : i32 to vector<16xi32>
      %parallel_loop3A_255 = arith.addi %parallel_loop3A_254, %parallel_loop3A_253 : vector<16xi32>
      %parallel_loop3A_256 = tpu.vector_load_idx %arg7[%parallel_loop3A_255] : memref<16384xf32, #tpu.memory_space<vmem>>[vector<16xi32>], vector<16xf32>,
      %parallel_loop3A_257 = arith.constant 16 : i32
      %parallel_loop3A_258 = arith.muli %parallel_loop3A_248, %parallel_loop3A_257 : i32
      %parallel_loop3A_259 = arith.index_cast %parallel_loop3A_258 : i32 to index
      %parallel_loop3A_260 = tpu.vector_load %arg11[%parallel_loop3A_259] {strides = array<i32>} : memref<8192xf32, #tpu.memory_space<vmem>>, vector<16xf32>,
      tpu.vector_store %arg11[%parallel_loop3A_259], %parallel_loop3A_256 {strides = array<i32>} : memref<8192xf32, #tpu.memory_space<vmem>>, vector<16xf32>,
    } {sc.loop_unroll_factor = 8 : i64, sc.parallel_access}
    %add3A_116 = arith.constant 1 : i32
    %add3A_117 = arith.addi %mul3A_2, %add3A_116 : i32
    %dma_start3A_118 = arith.constant 8192 : i32
    %dma_start3A_119 = tpu.memref_slice %arg3[%add3A_117, %dma_start3A_118] : memref<128x16384xf32, #tpu.memory_space<hbm>> -> memref<1x8192xf32, #tpu.memory_space<hbm>>
    %dma_start3A_120 = tpu.memref_squeeze %dma_start3A_119 : memref<1x8192xf32, #tpu.memory_space<hbm>> -> memref<8192xf32, #tpu.memory_space<hbm>>
    %dma_start3A_121 = arith.constant 8192 : i32
    %dma_start3A_122 = tpu.memref_slice %arg3[%add3A_117, %dma_start3A_121] : memref<128x16384xf32, #tpu.memory_space<hbm>> -> memref<1x8192xf32, #tpu.memory_space<hbm>>
    %dma_start3A_123 = tpu.memref_squeeze %dma_start3A_122 : memref<1x8192xf32, #tpu.memory_space<hbm>> -> memref<8192xf32, #tpu.memory_space<hbm>>
    tpu.enqueue_dma source(%arg11 : memref<8192xf32, #tpu.memory_space<vmem>>) target(%dma_start3A_123 : memref<8192xf32, #tpu.memory_space<hbm>>) target_semaphore(%arg19 : memref<!tpu.dma_semaphore, #tpu.memory_space<semaphore_mem>>)
    %dma_wait3A_124 = arith.constant 0 : i32
    %dma_wait3A_125 = tpu.memref_slice %arg2[%add3A_56, %dma_wait3A_124] : memref<128x32768xf32, #tpu.memory_space<hbm>> -> memref<1x16384xf32, #tpu.memory_space<hbm>>
    %dma_wait3A_126 = tpu.memref_squeeze %dma_wait3A_125 : memref<1x16384xf32, #tpu.memory_space<hbm>> -> memref<16384xf32, #tpu.memory_space<hbm>>
    %dma_wait3A_127 = arith.constant 0 : i32
    %dma_wait3A_128 = tpu.memref_slice %arg2[%add3A_56, %dma_wait3A_127] : memref<128x32768xf32, #tpu.memory_space<hbm>> -> memref<1x16384xf32, #tpu.memory_space<hbm>>
    %dma_wait3A_129 = tpu.memref_squeeze %dma_wait3A_128 : memref<1x16384xf32, #tpu.memory_space<hbm>> -> memref<16384xf32, #tpu.memory_space<hbm>>
    tpu.wait_dma2 semaphore(%arg12 : memref<!tpu.dma_semaphore, #tpu.memory_space<semaphore_mem>>) src(%dma_wait3A_129 : memref<16384xf32, #tpu.memory_space<hbm>>) dst(%arg4 : memref<16384xf32, #tpu.memory_space<vmem>>)
    %add3A_130 = arith.constant 3 : i32
    %add3A_131 = arith.addi %mul3A_2, %add3A_130 : i32
    %dma_start3A_132 = arith.constant 16384 : i32
    %dma_start3A_133 = tpu.memref_slice %arg2[%add3A_131, %dma_start3A_132] : memref<128x32768xf32, #tpu.memory_space<hbm>> -> memref<1x16384xf32, #tpu.memory_space<hbm>>
    %dma_start3A_134 = tpu.memref_squeeze %dma_start3A_133 : memref<1x16384xf32, #tpu.memory_space<hbm>> -> memref<16384xf32, #tpu.memory_space<hbm>>
    %dma_start3A_135 = arith.constant 16384 : i32
    %dma_start3A_136 = tpu.memref_slice %arg2[%add3A_131, %dma_start3A_135] : memref<128x32768xf32, #tpu.memory_space<hbm>> -> memref<1x16384xf32, #tpu.memory_space<hbm>>
    %dma_start3A_137 = tpu.memref_squeeze %dma_start3A_136 : memref<1x16384xf32, #tpu.memory_space<hbm>> -> memref<16384xf32, #tpu.memory_space<hbm>>
    tpu.enqueue_dma source(%dma_start3A_137 : memref<16384xf32, #tpu.memory_space<hbm>>) target(%arg7 : memref<16384xf32, #tpu.memory_space<vmem>>) target_semaphore(%arg15 : memref<!tpu.dma_semaphore, #tpu.memory_space<semaphore_mem>>)
    %dma_wait3A_138 = arith.constant 0 : i32
    %dma_wait3A_139 = tpu.memref_slice %arg3[%add3A_42, %dma_wait3A_138] : memref<128x16384xf32, #tpu.memory_space<hbm>> -> memref<1x8192xf32, #tpu.memory_space<hbm>>
    %dma_wait3A_140 = tpu.memref_squeeze %dma_wait3A_139 : memref<1x8192xf32, #tpu.memory_space<hbm>> -> memref<8192xf32, #tpu.memory_space<hbm>>
    %dma_wait3A_141 = arith.constant 0 : i32
    %dma_wait3A_142 = tpu.memref_slice %arg3[%add3A_42, %dma_wait3A_141] : memref<128x16384xf32, #tpu.memory_space<hbm>> -> memref<1x8192xf32, #tpu.memory_space<hbm>>
    %dma_wait3A_143 = tpu.memref_squeeze %dma_wait3A_142 : memref<1x8192xf32, #tpu.memory_space<hbm>> -> memref<8192xf32, #tpu.memory_space<hbm>>
    tpu.wait_dma2 semaphore(%arg16 : memref<!tpu.dma_semaphore, #tpu.memory_space<semaphore_mem>>) src(%arg8 : memref<8192xf32, #tpu.memory_space<vmem>>) dst(%dma_wait3A_143 : memref<8192xf32, #tpu.memory_space<hbm>>)
    %parallel_loop3A_144 = arith.constant 0 : i32
    %parallel_loop3A_145 = arith.constant 512 : i32
    %parallel_loop3A_146 = arith.constant 1 : i32
    scf.for %parallel_loop3A_248 = %parallel_loop3A_144 to %parallel_loop3A_145 step %parallel_loop3A_146  : i32 {
      %parallel_loop3A_249 = arith.constant 32 : i32
      %parallel_loop3A_250 = arith.muli %parallel_loop3A_249, %parallel_loop3A_248 : i32
      %parallel_loop3A_251 = arith.constant 2 : i32
      %parallel_loop3A_252 = vector.broadcast %parallel_loop3A_251 : i32 to vector<16xi32>
      %parallel_loop3A_253 = arith.muli %parallel_loop3A_252, %iota3A : vector<16xi32>
      %parallel_loop3A_254 = vector.broadcast %parallel_loop3A_250 : i32 to vector<16xi32>
      %parallel_loop3A_255 = arith.addi %parallel_loop3A_254, %parallel_loop3A_253 : vector<16xi32>
      %parallel_loop3A_256 = tpu.vector_load_idx %arg4[%parallel_loop3A_255] : memref<16384xf32, #tpu.memory_space<vmem>>[vector<16xi32>], vector<16xf32>,
      %parallel_loop3A_257 = arith.constant 16 : i32
      %parallel_loop3A_258 = arith.muli %parallel_loop3A_248, %parallel_loop3A_257 : i32
      %parallel_loop3A_259 = arith.index_cast %parallel_loop3A_258 : i32 to index
      %parallel_loop3A_260 = tpu.vector_load %arg8[%parallel_loop3A_259] {strides = array<i32>} : memref<8192xf32, #tpu.memory_space<vmem>>, vector<16xf32>,
      tpu.vector_store %arg8[%parallel_loop3A_259], %parallel_loop3A_256 {strides = array<i32>} : memref<8192xf32, #tpu.memory_space<vmem>>, vector<16xf32>,
    } {sc.loop_unroll_factor = 8 : i64, sc.parallel_access}
    %add3A_147 = arith.constant 2 : i32
    %add3A_148 = arith.addi %mul3A_2, %add3A_147 : i32
    %dma_start3A_149 = arith.constant 0 : i32
    %dma_start3A_150 = tpu.memref_slice %arg3[%add3A_148, %dma_start3A_149] : memref<128x16384xf32, #tpu.memory_space<hbm>> -> memref<1x8192xf32, #tpu.memory_space<hbm>>
    %dma_start3A_151 = tpu.memref_squeeze %dma_start3A_150 : memref<1x8192xf32, #tpu.memory_space<hbm>> -> memref<8192xf32, #tpu.memory_space<hbm>>
    %dma_start3A_152 = arith.constant 0 : i32
    %dma_start3A_153 = tpu.memref_slice %arg3[%add3A_148, %dma_start3A_152] : memref<128x16384xf32, #tpu.memory_space<hbm>> -> memref<1x8192xf32, #tpu.memory_space<hbm>>
    %dma_start3A_154 = tpu.memref_squeeze %dma_start3A_153 : memref<1x8192xf32, #tpu.memory_space<hbm>> -> memref<8192xf32, #tpu.memory_space<hbm>>
    tpu.enqueue_dma source(%arg8 : memref<8192xf32, #tpu.memory_space<vmem>>) target(%dma_start3A_154 : memref<8192xf32, #tpu.memory_space<hbm>>) target_semaphore(%arg16 : memref<!tpu.dma_semaphore, #tpu.memory_space<semaphore_mem>>)
    %dma_wait3A_155 = arith.constant 16384 : i32
    %dma_wait3A_156 = tpu.memref_slice %arg2[%add3A_81, %dma_wait3A_155] : memref<128x32768xf32, #tpu.memory_space<hbm>> -> memref<1x16384xf32, #tpu.memory_space<hbm>>
    %dma_wait3A_157 = tpu.memref_squeeze %dma_wait3A_156 : memref<1x16384xf32, #tpu.memory_space<hbm>> -> memref<16384xf32, #tpu.memory_space<hbm>>
    %dma_wait3A_158 = arith.constant 16384 : i32
    %dma_wait3A_159 = tpu.memref_slice %arg2[%add3A_81, %dma_wait3A_158] : memref<128x32768xf32, #tpu.memory_space<hbm>> -> memref<1x16384xf32, #tpu.memory_space<hbm>>
    %dma_wait3A_160 = tpu.memref_squeeze %dma_wait3A_159 : memref<1x16384xf32, #tpu.memory_space<hbm>> -> memref<16384xf32, #tpu.memory_space<hbm>>
    tpu.wait_dma2 semaphore(%arg13 : memref<!tpu.dma_semaphore, #tpu.memory_space<semaphore_mem>>) src(%dma_wait3A_160 : memref<16384xf32, #tpu.memory_space<hbm>>) dst(%arg5 : memref<16384xf32, #tpu.memory_space<vmem>>)
    %dma_wait3A_161 = arith.constant 8192 : i32
    %dma_wait3A_162 = tpu.memref_slice %arg3[%add3A_67, %dma_wait3A_161] : memref<128x16384xf32, #tpu.memory_space<hbm>> -> memref<1x8192xf32, #tpu.memory_space<hbm>>
    %dma_wait3A_163 = tpu.memref_squeeze %dma_wait3A_162 : memref<1x8192xf32, #tpu.memory_space<hbm>> -> memref<8192xf32, #tpu.memory_space<hbm>>
    %dma_wait3A_164 = arith.constant 8192 : i32
    %dma_wait3A_165 = tpu.memref_slice %arg3[%add3A_67, %dma_wait3A_164] : memref<128x16384xf32, #tpu.memory_space<hbm>> -> memref<1x8192xf32, #tpu.memory_space<hbm>>
    %dma_wait3A_166 = tpu.memref_squeeze %dma_wait3A_165 : memref<1x8192xf32, #tpu.memory_space<hbm>> -> memref<8192xf32, #tpu.memory_space<hbm>>
    tpu.wait_dma2 semaphore(%arg17 : memref<!tpu.dma_semaphore, #tpu.memory_space<semaphore_mem>>) src(%arg9 : memref<8192xf32, #tpu.memory_space<vmem>>) dst(%dma_wait3A_166 : memref<8192xf32, #tpu.memory_space<hbm>>)
    %parallel_loop3A_167 = arith.constant 0 : i32
    %parallel_loop3A_168 = arith.constant 512 : i32
    %parallel_loop3A_169 = arith.constant 1 : i32
    scf.for %parallel_loop3A_248 = %parallel_loop3A_167 to %parallel_loop3A_168 step %parallel_loop3A_169  : i32 {
      %parallel_loop3A_249 = arith.constant 32 : i32
      %parallel_loop3A_250 = arith.muli %parallel_loop3A_249, %parallel_loop3A_248 : i32
      %parallel_loop3A_251 = arith.constant 2 : i32
      %parallel_loop3A_252 = vector.broadcast %parallel_loop3A_251 : i32 to vector<16xi32>
      %parallel_loop3A_253 = arith.muli %parallel_loop3A_252, %iota3A : vector<16xi32>
      %parallel_loop3A_254 = vector.broadcast %parallel_loop3A_250 : i32 to vector<16xi32>
      %parallel_loop3A_255 = arith.addi %parallel_loop3A_254, %parallel_loop3A_253 : vector<16xi32>
      %parallel_loop3A_256 = tpu.vector_load_idx %arg5[%parallel_loop3A_255] : memref<16384xf32, #tpu.memory_space<vmem>>[vector<16xi32>], vector<16xf32>,
      %parallel_loop3A_257 = arith.constant 16 : i32
      %parallel_loop3A_258 = arith.muli %parallel_loop3A_248, %parallel_loop3A_257 : i32
      %parallel_loop3A_259 = arith.index_cast %parallel_loop3A_258 : i32 to index
      %parallel_loop3A_260 = tpu.vector_load %arg9[%parallel_loop3A_259] {strides = array<i32>} : memref<8192xf32, #tpu.memory_space<vmem>>, vector<16xf32>,
      tpu.vector_store %arg9[%parallel_loop3A_259], %parallel_loop3A_256 {strides = array<i32>} : memref<8192xf32, #tpu.memory_space<vmem>>, vector<16xf32>,
    } {sc.loop_unroll_factor = 8 : i64, sc.parallel_access}
    %add3A_170 = arith.constant 2 : i32
    %add3A_171 = arith.addi %mul3A_2, %add3A_170 : i32
    %dma_start3A_172 = arith.constant 8192 : i32
    %dma_start3A_173 = tpu.memref_slice %arg3[%add3A_171, %dma_start3A_172] : memref<128x16384xf32, #tpu.memory_space<hbm>> -> memref<1x8192xf32, #tpu.memory_space<hbm>>
    %dma_start3A_174 = tpu.memref_squeeze %dma_start3A_173 : memref<1x8192xf32, #tpu.memory_space<hbm>> -> memref<8192xf32, #tpu.memory_space<hbm>>
    %dma_start3A_175 = arith.constant 8192 : i32
    %dma_start3A_176 = tpu.memref_slice %arg3[%add3A_171, %dma_start3A_175] : memref<128x16384xf32, #tpu.memory_space<hbm>> -> memref<1x8192xf32, #tpu.memory_space<hbm>>
    %dma_start3A_177 = tpu.memref_squeeze %dma_start3A_176 : memref<1x8192xf32, #tpu.memory_space<hbm>> -> memref<8192xf32, #tpu.memory_space<hbm>>
    tpu.enqueue_dma source(%arg9 : memref<8192xf32, #tpu.memory_space<vmem>>) target(%dma_start3A_177 : memref<8192xf32, #tpu.memory_space<hbm>>) target_semaphore(%arg17 : memref<!tpu.dma_semaphore, #tpu.memory_space<semaphore_mem>>)
    %dma_wait3A_178 = arith.constant 0 : i32
    %dma_wait3A_179 = tpu.memref_slice %arg2[%add3A_106, %dma_wait3A_178] : memref<128x32768xf32, #tpu.memory_space<hbm>> -> memref<1x16384xf32, #tpu.memory_space<hbm>>
    %dma_wait3A_180 = tpu.memref_squeeze %dma_wait3A_179 : memref<1x16384xf32, #tpu.memory_space<hbm>> -> memref<16384xf32, #tpu.memory_space<hbm>>
    %dma_wait3A_181 = arith.constant 0 : i32
    %dma_wait3A_182 = tpu.memref_slice %arg2[%add3A_106, %dma_wait3A_181] : memref<128x32768xf32, #tpu.memory_space<hbm>> -> memref<1x16384xf32, #tpu.memory_space<hbm>>
    %dma_wait3A_183 = tpu.memref_squeeze %dma_wait3A_182 : memref<1x16384xf32, #tpu.memory_space<hbm>> -> memref<16384xf32, #tpu.memory_space<hbm>>
    tpu.wait_dma2 semaphore(%arg14 : memref<!tpu.dma_semaphore, #tpu.memory_space<semaphore_mem>>) src(%dma_wait3A_183 : memref<16384xf32, #tpu.memory_space<hbm>>) dst(%arg6 : memref<16384xf32, #tpu.memory_space<vmem>>)
    %dma_wait3A_184 = arith.constant 0 : i32
    %dma_wait3A_185 = tpu.memref_slice %arg3[%add3A_92, %dma_wait3A_184] : memref<128x16384xf32, #tpu.memory_space<hbm>> -> memref<1x8192xf32, #tpu.memory_space<hbm>>
    %dma_wait3A_186 = tpu.memref_squeeze %dma_wait3A_185 : memref<1x8192xf32, #tpu.memory_space<hbm>> -> memref<8192xf32, #tpu.memory_space<hbm>>
    %dma_wait3A_187 = arith.constant 0 : i32
    %dma_wait3A_188 = tpu.memref_slice %arg3[%add3A_92, %dma_wait3A_187] : memref<128x16384xf32, #tpu.memory_space<hbm>> -> memref<1x8192xf32, #tpu.memory_space<hbm>>
    %dma_wait3A_189 = tpu.memref_squeeze %dma_wait3A_188 : memref<1x8192xf32, #tpu.memory_space<hbm>> -> memref<8192xf32, #tpu.memory_space<hbm>>
    tpu.wait_dma2 semaphore(%arg18 : memref<!tpu.dma_semaphore, #tpu.memory_space<semaphore_mem>>) src(%arg10 : memref<8192xf32, #tpu.memory_space<vmem>>) dst(%dma_wait3A_189 : memref<8192xf32, #tpu.memory_space<hbm>>)
    %parallel_loop3A_190 = arith.constant 0 : i32
    %parallel_loop3A_191 = arith.constant 512 : i32
    %parallel_loop3A_192 = arith.constant 1 : i32
    scf.for %parallel_loop3A_248 = %parallel_loop3A_190 to %parallel_loop3A_191 step %parallel_loop3A_192  : i32 {
      %parallel_loop3A_249 = arith.constant 32 : i32
      %parallel_loop3A_250 = arith.muli %parallel_loop3A_249, %parallel_loop3A_248 : i32
      %parallel_loop3A_251 = arith.constant 2 : i32
      %parallel_loop3A_252 = vector.broadcast %parallel_loop3A_251 : i32 to vector<16xi32>
      %parallel_loop3A_253 = arith.muli %parallel_loop3A_252, %iota3A : vector<16xi32>
      %parallel_loop3A_254 = vector.broadcast %parallel_loop3A_250 : i32 to vector<16xi32>
      %parallel_loop3A_255 = arith.addi %parallel_loop3A_254, %parallel_loop3A_253 : vector<16xi32>
      %parallel_loop3A_256 = tpu.vector_load_idx %arg6[%parallel_loop3A_255] : memref<16384xf32, #tpu.memory_space<vmem>>[vector<16xi32>], vector<16xf32>,
      %parallel_loop3A_257 = arith.constant 16 : i32
      %parallel_loop3A_258 = arith.muli %parallel_loop3A_248, %parallel_loop3A_257 : i32
      %parallel_loop3A_259 = arith.index_cast %parallel_loop3A_258 : i32 to index
      %parallel_loop3A_260 = tpu.vector_load %arg10[%parallel_loop3A_259] {strides = array<i32>} : memref<8192xf32, #tpu.memory_space<vmem>>, vector<16xf32>,
      tpu.vector_store %arg10[%parallel_loop3A_259], %parallel_loop3A_256 {strides = array<i32>} : memref<8192xf32, #tpu.memory_space<vmem>>, vector<16xf32>,
    } {sc.loop_unroll_factor = 8 : i64, sc.parallel_access}
    %add3A_193 = arith.constant 3 : i32
    %add3A_194 = arith.addi %mul3A_2, %add3A_193 : i32
    %dma_start3A_195 = arith.constant 0 : i32
    %dma_start3A_196 = tpu.memref_slice %arg3[%add3A_194, %dma_start3A_195] : memref<128x16384xf32, #tpu.memory_space<hbm>> -> memref<1x8192xf32, #tpu.memory_space<hbm>>
    %dma_start3A_197 = tpu.memref_squeeze %dma_start3A_196 : memref<1x8192xf32, #tpu.memory_space<hbm>> -> memref<8192xf32, #tpu.memory_space<hbm>>
    %dma_start3A_198 = arith.constant 0 : i32
    %dma_start3A_199 = tpu.memref_slice %arg3[%add3A_194, %dma_start3A_198] : memref<128x16384xf32, #tpu.memory_space<hbm>> -> memref<1x8192xf32, #tpu.memory_space<hbm>>
    %dma_start3A_200 = tpu.memref_squeeze %dma_start3A_199 : memref<1x8192xf32, #tpu.memory_space<hbm>> -> memref<8192xf32, #tpu.memory_space<hbm>>
    tpu.enqueue_dma source(%arg10 : memref<8192xf32, #tpu.memory_space<vmem>>) target(%dma_start3A_200 : memref<8192xf32, #tpu.memory_space<hbm>>) target_semaphore(%arg18 : memref<!tpu.dma_semaphore, #tpu.memory_space<semaphore_mem>>)
    %dma_wait3A_201 = arith.constant 16384 : i32
    %dma_wait3A_202 = tpu.memref_slice %arg2[%add3A_131, %dma_wait3A_201] : memref<128x32768xf32, #tpu.memory_space<hbm>> -> memref<1x16384xf32, #tpu.memory_space<hbm>>
    %dma_wait3A_203 = tpu.memref_squeeze %dma_wait3A_202 : memref<1x16384xf32, #tpu.memory_space<hbm>> -> memref<16384xf32, #tpu.memory_space<hbm>>
    %dma_wait3A_204 = arith.constant 16384 : i32
    %dma_wait3A_205 = tpu.memref_slice %arg2[%add3A_131, %dma_wait3A_204] : memref<128x32768xf32, #tpu.memory_space<hbm>> -> memref<1x16384xf32, #tpu.memory_space<hbm>>
    %dma_wait3A_206 = tpu.memref_squeeze %dma_wait3A_205 : memref<1x16384xf32, #tpu.memory_space<hbm>> -> memref<16384xf32, #tpu.memory_space<hbm>>
    tpu.wait_dma2 semaphore(%arg15 : memref<!tpu.dma_semaphore, #tpu.memory_space<semaphore_mem>>) src(%dma_wait3A_206 : memref<16384xf32, #tpu.memory_space<hbm>>) dst(%arg7 : memref<16384xf32, #tpu.memory_space<vmem>>)
    %dma_wait3A_207 = arith.constant 8192 : i32
    %dma_wait3A_208 = tpu.memref_slice %arg3[%add3A_117, %dma_wait3A_207] : memref<128x16384xf32, #tpu.memory_space<hbm>> -> memref<1x8192xf32, #tpu.memory_space<hbm>>
    %dma_wait3A_209 = tpu.memref_squeeze %dma_wait3A_208 : memref<1x8192xf32, #tpu.memory_space<hbm>> -> memref<8192xf32, #tpu.memory_space<hbm>>
    %dma_wait3A_210 = arith.constant 8192 : i32
    %dma_wait3A_211 = tpu.memref_slice %arg3[%add3A_117, %dma_wait3A_210] : memref<128x16384xf32, #tpu.memory_space<hbm>> -> memref<1x8192xf32, #tpu.memory_space<hbm>>
    %dma_wait3A_212 = tpu.memref_squeeze %dma_wait3A_211 : memref<1x8192xf32, #tpu.memory_space<hbm>> -> memref<8192xf32, #tpu.memory_space<hbm>>
    tpu.wait_dma2 semaphore(%arg19 : memref<!tpu.dma_semaphore, #tpu.memory_space<semaphore_mem>>) src(%arg11 : memref<8192xf32, #tpu.memory_space<vmem>>) dst(%dma_wait3A_212 : memref<8192xf32, #tpu.memory_space<hbm>>)
    %parallel_loop3A_213 = arith.constant 0 : i32
    %parallel_loop3A_214 = arith.constant 512 : i32
    %parallel_loop3A_215 = arith.constant 1 : i32
    scf.for %parallel_loop3A_248 = %parallel_loop3A_213 to %parallel_loop3A_214 step %parallel_loop3A_215  : i32 {
      %parallel_loop3A_249 = arith.constant 32 : i32
      %parallel_loop3A_250 = arith.muli %parallel_loop3A_249, %parallel_loop3A_248 : i32
      %parallel_loop3A_251 = arith.constant 2 : i32
      %parallel_loop3A_252 = vector.broadcast %parallel_loop3A_251 : i32 to vector<16xi32>
      %parallel_loop3A_253 = arith.muli %parallel_loop3A_252, %iota3A : vector<16xi32>
      %parallel_loop3A_254 = vector.broadcast %parallel_loop3A_250 : i32 to vector<16xi32>
      %parallel_loop3A_255 = arith.addi %parallel_loop3A_254, %parallel_loop3A_253 : vector<16xi32>
      %parallel_loop3A_256 = tpu.vector_load_idx %arg7[%parallel_loop3A_255] : memref<16384xf32, #tpu.memory_space<vmem>>[vector<16xi32>], vector<16xf32>,
      %parallel_loop3A_257 = arith.constant 16 : i32
      %parallel_loop3A_258 = arith.muli %parallel_loop3A_248, %parallel_loop3A_257 : i32
      %parallel_loop3A_259 = arith.index_cast %parallel_loop3A_258 : i32 to index
      %parallel_loop3A_260 = tpu.vector_load %arg11[%parallel_loop3A_259] {strides = array<i32>} : memref<8192xf32, #tpu.memory_space<vmem>>, vector<16xf32>,
      tpu.vector_store %arg11[%parallel_loop3A_259], %parallel_loop3A_256 {strides = array<i32>} : memref<8192xf32, #tpu.memory_space<vmem>>, vector<16xf32>,
    } {sc.loop_unroll_factor = 8 : i64, sc.parallel_access}
    %add3A_216 = arith.constant 3 : i32
    %add3A_217 = arith.addi %mul3A_2, %add3A_216 : i32
    %dma_start3A_218 = arith.constant 8192 : i32
    %dma_start3A_219 = tpu.memref_slice %arg3[%add3A_217, %dma_start3A_218] : memref<128x16384xf32, #tpu.memory_space<hbm>> -> memref<1x8192xf32, #tpu.memory_space<hbm>>
    %dma_start3A_220 = tpu.memref_squeeze %dma_start3A_219 : memref<1x8192xf32, #tpu.memory_space<hbm>> -> memref<8192xf32, #tpu.memory_space<hbm>>
    %dma_start3A_221 = arith.constant 8192 : i32
    %dma_start3A_222 = tpu.memref_slice %arg3[%add3A_217, %dma_start3A_221] : memref<128x16384xf32, #tpu.memory_space<hbm>> -> memref<1x8192xf32, #tpu.memory_space<hbm>>
    %dma_start3A_223 = tpu.memref_squeeze %dma_start3A_222 : memref<1x8192xf32, #tpu.memory_space<hbm>> -> memref<8192xf32, #tpu.memory_space<hbm>>
    tpu.enqueue_dma source(%arg11 : memref<8192xf32, #tpu.memory_space<vmem>>) target(%dma_start3A_223 : memref<8192xf32, #tpu.memory_space<hbm>>) target_semaphore(%arg19 : memref<!tpu.dma_semaphore, #tpu.memory_space<semaphore_mem>>)
    %dma_wait3A_224 = arith.constant 0 : i32
    %dma_wait3A_225 = tpu.memref_slice %arg3[%add3A_148, %dma_wait3A_224] : memref<128x16384xf32, #tpu.memory_space<hbm>> -> memref<1x8192xf32, #tpu.memory_space<hbm>>
    %dma_wait3A_226 = tpu.memref_squeeze %dma_wait3A_225 : memref<1x8192xf32, #tpu.memory_space<hbm>> -> memref<8192xf32, #tpu.memory_space<hbm>>
    %dma_wait3A_227 = arith.constant 0 : i32
    %dma_wait3A_228 = tpu.memref_slice %arg3[%add3A_148, %dma_wait3A_227] : memref<128x16384xf32, #tpu.memory_space<hbm>> -> memref<1x8192xf32, #tpu.memory_space<hbm>>
    %dma_wait3A_229 = tpu.memref_squeeze %dma_wait3A_228 : memref<1x8192xf32, #tpu.memory_space<hbm>> -> memref<8192xf32, #tpu.memory_space<hbm>>
    tpu.wait_dma2 semaphore(%arg16 : memref<!tpu.dma_semaphore, #tpu.memory_space<semaphore_mem>>) src(%arg8 : memref<8192xf32, #tpu.memory_space<vmem>>) dst(%dma_wait3A_229 : memref<8192xf32, #tpu.memory_space<hbm>>)
    %dma_wait3A_230 = arith.constant 8192 : i32
    %dma_wait3A_231 = tpu.memref_slice %arg3[%add3A_171, %dma_wait3A_230] : memref<128x16384xf32, #tpu.memory_space<hbm>> -> memref<1x8192xf32, #tpu.memory_space<hbm>>
    %dma_wait3A_232 = tpu.memref_squeeze %dma_wait3A_231 : memref<1x8192xf32, #tpu.memory_space<hbm>> -> memref<8192xf32, #tpu.memory_space<hbm>>
    %dma_wait3A_233 = arith.constant 8192 : i32
    %dma_wait3A_234 = tpu.memref_slice %arg3[%add3A_171, %dma_wait3A_233] : memref<128x16384xf32, #tpu.memory_space<hbm>> -> memref<1x8192xf32, #tpu.memory_space<hbm>>
    %dma_wait3A_235 = tpu.memref_squeeze %dma_wait3A_234 : memref<1x8192xf32, #tpu.memory_space<hbm>> -> memref<8192xf32, #tpu.memory_space<hbm>>
    tpu.wait_dma2 semaphore(%arg17 : memref<!tpu.dma_semaphore, #tpu.memory_space<semaphore_mem>>) src(%arg9 : memref<8192xf32, #tpu.memory_space<vmem>>) dst(%dma_wait3A_235 : memref<8192xf32, #tpu.memory_space<hbm>>)
    %dma_wait3A_236 = arith.constant 0 : i32
    %dma_wait3A_237 = tpu.memref_slice %arg3[%add3A_194, %dma_wait3A_236] : memref<128x16384xf32, #tpu.memory_space<hbm>> -> memref<1x8192xf32, #tpu.memory_space<hbm>>
    %dma_wait3A_238 = tpu.memref_squeeze %dma_wait3A_237 : memref<1x8192xf32, #tpu.memory_space<hbm>> -> memref<8192xf32, #tpu.memory_space<hbm>>
    %dma_wait3A_239 = arith.constant 0 : i32
    %dma_wait3A_240 = tpu.memref_slice %arg3[%add3A_194, %dma_wait3A_239] : memref<128x16384xf32, #tpu.memory_space<hbm>> -> memref<1x8192xf32, #tpu.memory_space<hbm>>
    %dma_wait3A_241 = tpu.memref_squeeze %dma_wait3A_240 : memref<1x8192xf32, #tpu.memory_space<hbm>> -> memref<8192xf32, #tpu.memory_space<hbm>>
    tpu.wait_dma2 semaphore(%arg18 : memref<!tpu.dma_semaphore, #tpu.memory_space<semaphore_mem>>) src(%arg10 : memref<8192xf32, #tpu.memory_space<vmem>>) dst(%dma_wait3A_241 : memref<8192xf32, #tpu.memory_space<hbm>>)
    %dma_wait3A_242 = arith.constant 8192 : i32
    %dma_wait3A_243 = tpu.memref_slice %arg3[%add3A_217, %dma_wait3A_242] : memref<128x16384xf32, #tpu.memory_space<hbm>> -> memref<1x8192xf32, #tpu.memory_space<hbm>>
    %dma_wait3A_244 = tpu.memref_squeeze %dma_wait3A_243 : memref<1x8192xf32, #tpu.memory_space<hbm>> -> memref<8192xf32, #tpu.memory_space<hbm>>
    %dma_wait3A_245 = arith.constant 8192 : i32
    %dma_wait3A_246 = tpu.memref_slice %arg3[%add3A_217, %dma_wait3A_245] : memref<128x16384xf32, #tpu.memory_space<hbm>> -> memref<1x8192xf32, #tpu.memory_space<hbm>>
    %dma_wait3A_247 = tpu.memref_squeeze %dma_wait3A_246 : memref<1x8192xf32, #tpu.memory_space<hbm>> -> memref<8192xf32, #tpu.memory_space<hbm>>
    tpu.wait_dma2 semaphore(%arg19 : memref<!tpu.dma_semaphore, #tpu.memory_space<semaphore_mem>>) src(%arg11 : memref<8192xf32, #tpu.memory_space<vmem>>) dst(%dma_wait3A_247 : memref<8192xf32, #tpu.memory_space<hbm>>)
    return
  }
}

</mosaic_0001>

<sc_bundles>
// kernel: kernel.3.cloned.1.call-start
scs
__scs_entry_jumppad:
0x0: {  	(pc) =	sbr.rel $0x88, $3  }
0x1: {  	(tag) =	ssettag $0x0;
	lr =	simm.s32 $0x1  }
0x2: {  	[smem:$0x3FA0] =	sst lr;
	_ =	strace $0xD0000000  }
0x3: {  	_ = 	snop  }
0x4: {  	_ = 	snop  }
0x5: {  	_ = 	snop  }
0x6: {  	_ = 	snop  }
0x7: {  	_ = 	snop  }
__scs_overlays_trampoline_lowered:
0x8: {  	[smem:$0x3FAF] =	sst s0  }
0x9: {  	[smem:$0x3FB0] =	sst s1  }
0xa: {  	[smem:$0x3FB1] =	sst s2  }
0xb: {  	[smem:$0x3FB2] =	sst s3  }
0xc: {  	[smem:$0x3FB3] =	sst s4  }
0xd: {  	[smem:$0x3FB4] =	sst s5  }
0xe: {  	[smem:$0x3FB5] =	sst s6  }
0xf: {  	[smem:$0x3FB6] =	sst s7  }
0x10: {  	[smem:$0x3FB7] =	sst s8  }
0x11: {  	[smem:$0x3FB8] =	sst s9;
	s0 =	simm.s32 @!p0 $0x0  }
0x12: {  	s1 =	sld [smem:$0x3F9E];
	s0 =	simm.s32 @p0 $0x1  }
0x13: {  	[smem:$0x3FB9] =	sst s0;
	s0 =	simm.s32 @!p1 $0x0  }
0x14: {  	s2 =	sld [smem:$0x3F9D];
	s0 =	simm.s32 @p1 $0x1  }
0x15: {  	[smem:$0x3FBA] =	sst s0;
	s0 =	simm.s32 @!p2 $0x0  }
0x16: {  	s3 =	sld [smem:$0x3FDB];
	s0 =	simm.s32 @p2 $0x1  }
0x17: {  	s4 =	simm.s32 $0x1BF5;
	[smem:$0x3FBC] =	sst s0  }
0x18: {  	s0 =	sld [smem:$0x3F9F];
	_ =	swait.ge [sflag:s4], $0x0  }
0x19: {  	s7 =	sld [smem:$0x3FA0]  }
0x1a: {  	s8 =	sadd.s32 $0xFFFFE003, lr  }
0x1b: {  	s9 =	sadd.s32 $0xFFFFFEF7, lr;
	s5 =	simm.s32 $0xFFFFFFFF;
	p2 =	slt.u32 s8, $0xFFFFF086  }
0x1c: {  	p1 =	slt.u32 s9, $0xF7A;
	s5 =	simm.s32 @!p2 $0x0  }
0x1d: {  	s5 =	simm.s32 @p1 $0x1;
	p0 =	seq.s32 s7, s2  }
0x1e: {  	s7 =	smul.u32 @!p0 $0xF7A, s2;
	p2 =	seq.s32 @!p0 s5, $0x0  }
0x1f: {  	s9 =	smul.u32 $0xF7A, s1;
	s8 =	simm.s32 @!p0 $0x1BF5;
	p2 =	por !p2, p0  }
0x20: {  	[sflag:s8] =	ssyncset.s32 @!p0 $0xFFFFF086;
	s6 =	sadd.s32 @!p0 s3, s7;
	s7 =	simm.s32 @!p0 $0x108  }
0x21: {  	s3 =	sadd.s32 s3, s9;
	s6 =	sadd.s32 @!p0 $0x88, s6;
	s7 =	simm.s32 @p2 $0x1082  }
0x22: {  	[simem:s7], [sflag:s8] =	dma.local @!p0 [hbm:s6], $0xF7A  }
0x23: {  	s9 =	sor.u32 $0xD0000000, s2;
	s6 =	simm.s32 $0x108;
	_ =	swait.ge @!p0 [sflag:s8], $0x0  }
0x24: {  	s3 =	sadd.s32 $0x88, s3;
	s6 =	simm.s32 @!p1 $0x1082;
	[sflag:s4] =	ssyncset.s32 $0xFFFFF086  }
0x25: {  	[simem:s6], [sflag:s4] =	dma.local [hbm:s3], $0xF7A  }
0x26: {  	[smem:$0x3FA0] =	sst s1;
	(tag) =	ssettag s2;
	_ =	strace s9  }
0x27: {  	s1 =	sld [smem:$0x3FB0]  }
0x28: {  	s2 =	sld [smem:$0x3FB1]  }
0x29: {  	s4 =	sld [smem:$0x3FB3]  }
0x2a: {  	p0 =	seq.s32 s5, $0x0;
	s5 =	sld [smem:$0x3FB4]  }
0x2b: {  	s6 =	sld [smem:$0x3FB5]  }
0x2c: {  	s7 =	sld [smem:$0x3FB6]  }
0x2d: {  	s3 =	simm.s32 $0x108;
	s8 =	sld [smem:$0x3FB7]  }
0x2e: {  	s3 =	simm.s32 @!p0 $0x1082;
	s9 =	sld [smem:$0x3FB8]  }
0x2f: {  	lr =	sadd.s32 s0, s3;
	s0 =	sld [smem:$0x3FAF]  }
0x30: {  	s3 =	sld [smem:$0x3FB2]  }
0x31: {  	[smem:$0x3FBB] =	sst s10  }
0x32: {  	s10 =	sld [smem:$0x3FB9];
	_ =	sdelay $0x3  }
0x33: {  	p0 =	seq.s32 s10, $0x1;
	s10 =	sld [smem:$0x3FBB];
	_ =	sdelay $0x3  }
0x34: {  	[smem:$0x3FBB] =	sst s10  }
0x35: {  	s10 =	sld [smem:$0x3FBA];
	_ =	sdelay $0x3  }
0x36: {  	p1 =	seq.s32 s10, $0x1;
	s10 =	sld [smem:$0x3FBB];
	_ =	sdelay $0x3  }
0x37: {  	[smem:$0x3FBB] =	sst s10  }
0x38: {  	s10 =	sld [smem:$0x3FBC]  }
0x39: {  	_ = 	snop;
	(pc) =	sbr.ind lr, $3  }
0x3a: {  	_ = 	snop  }
0x3b: {  	_ = 	snop  }
0x3c: {  	p2 =	seq.s32 s10, $0x1;
	s10 =	sld [smem:$0x3FBB]  }
0x3d: {  	_ =	shalt  }
0x3e: {  	_ =	shalt  }
0x3f: {  	_ =	shalt  }
0x40: {  	_ =	shalt  }
0x41: {  	_ =	shalt  }
0x42: {  	_ =	shalt  }
0x43: {  	_ =	shalt  }
0x44: {  	_ =	shalt  }
0x45: {  	_ =	shalt  }
0x46: {  	_ =	shalt  }
0x47: {  	_ =	shalt  }
0x48: {  	_ =	shalt  }
0x49: {  	_ =	shalt  }
0x4a: {  	_ =	shalt  }
0x4b: {  	_ =	shalt  }
0x4c: {  	_ =	shalt  }
0x4d: {  	_ =	shalt  }
0x4e: {  	_ =	shalt  }
0x4f: {  	_ =	shalt  }
0x50: {  	_ =	shalt  }
0x51: {  	_ =	shalt  }
0x52: {  	_ =	shalt  }
0x53: {  	_ =	shalt  }
0x54: {  	_ =	shalt  }
0x55: {  	_ =	shalt  }
0x56: {  	_ =	shalt  }
0x57: {  	_ =	shalt  }
0x58: {  	_ =	shalt  }
0x59: {  	_ =	shalt  }
0x5a: {  	_ =	shalt  }
0x5b: {  	_ =	shalt  }
0x5c: {  	_ =	shalt  }
0x5d: {  	_ =	shalt  }
0x5e: {  	_ =	shalt  }
0x5f: {  	_ =	shalt  }
0x60: {  	_ =	shalt  }
0x61: {  	_ =	shalt  }
0x62: {  	_ =	shalt  }
0x63: {  	_ =	shalt  }
0x64: {  	_ =	shalt  }
0x65: {  	_ =	shalt  }
0x66: {  	_ =	shalt  }
0x67: {  	_ =	shalt  }
0x68: {  	_ =	shalt  }
0x69: {  	_ =	shalt  }
0x6a: {  	_ =	shalt  }
0x6b: {  	_ =	shalt  }
0x6c: {  	_ =	shalt  }
0x6d: {  	_ =	shalt  }
0x6e: {  	_ =	shalt  }
0x6f: {  	_ =	shalt  }
0x70: {  	_ =	shalt  }
0x71: {  	_ =	shalt  }
0x72: {  	_ =	shalt  }
0x73: {  	_ =	shalt  }
0x74: {  	_ =	shalt  }
0x75: {  	_ =	shalt  }
0x76: {  	_ =	shalt  }
0x77: {  	_ =	shalt  }
0x78: {  	_ =	shalt  }
0x79: {  	_ =	shalt  }
0x7a: {  	_ =	shalt  }
0x7b: {  	_ =	shalt  }
0x7c: {  	_ =	shalt  }
0x7d: {  	_ =	shalt  }
0x7e: {  	_ =	shalt  }
0x7f: {  	_ =	shalt  }
0x80: {  	_ =	shalt  }
0x81: {  	_ =	shalt  }
0x82: {  	_ =	shalt  }
0x83: {  	_ =	shalt  }
0x84: {  	_ =	shalt  }
0x85: {  	_ =	shalt  }
0x86: {  	_ =	shalt  }
0x87: {  	_ =	shalt  }
.Lfunc_end0:
.L_simem_size_0:
called_computation_lowered:
.L_overlay_start_0:
0x88: {  	s2 =	sld [smem:$0x3FD9]  }
0x89: {  	s3 =	sld [smem:$0x3FFE];
	_ =	sdelay $0x1  }
0x8a: {  	s1 =	srdreg.scid  }
0x8b: {  	s0 =	sand.u32 $0x1, s1  }
0x8c: {  	s18 =	sshll.u32 s0, $0xA;
	s2 =	sadd.s32 s3, s2  }
0x8d: {  	s2 =	sadd.s32 s2, s18  }
0x8e: {  	[smem:$0x3FC7] =	sst s2  }
0x8f: {  	_ = 	snop  }
0x90: {  	s2 =	sld [smem:$0x3FC9]  }
0x91: {  	s19 =	sld [smem:$0x3FD0];
	(tm) =	ssettm $0x1  }
0x92: {  	s4 =	sld [smem:$0x3FFB];
	_ =	sdelay $0x3  }
0x93: {  	_ =	strace s4  }
0x94: {  	s4 =	sld [smem:$0x3FFC];
	_ =	sdelay $0x3  }
0x95: {  	_ =	strace s4  }
0x96: {  	s4 =	sld [smem:$0x3FFD];
	_ =	sdelay $0x3  }
0x97: {  	_ =	strace s4  }
0x98: {  	_ =	strace $0x8FFFFFFF  }
0x99: {  	s20 =	sld [smem:$0x3FDB];
	_ =	sdelay $0x1  }
0x9a: {  	s5 =	simm.s32 $_scs_section_size  }
0x9b: {  	s6 =	simm.s32 $_size__tile_overlayer_lowered;
	s7 =	simm.s32 $_tile_overlayer_lowered  }
0x9c: {  	s23 =	simm.s32 $0x1BFF;
	s22 =	sshll.u32 s7, $0x1;
	s4 =	sadd.s32 s5, s20  }
0x9d: {  	s8 =	simm.s32 $0x0;
	s21 =	sshll.u32 s6, $0x1;
	s6 =	sadd.s32 s22, s4  }
0x9e: {  	[timem:s8], [sflag:s23] =	dma.local [hbm:s6], s21  }
0x9f: {  	_ =	swait.ge [sflag:s23], s21  }
0xa0: {  	s5 =	ssub.s32 $0x0, s21;
	[sflag:s23] =	ssyncset.done $0x0  }
0xa1: {  	[sflag:s23] =	ssyncadd.s32 s5;
	_ =	sdelay $0x1  }
0xa2: {  	s24 =	simm.s32 $0x1B8B  }
0xa3: {  	_ =	swait.ge [sflag:s24], $0x1  }
0xa4: {  	[sflag:s24] =	ssyncset.done $0x0  }
0xa5: {  	s25 =	simm.s32 $0x1B8E;
	[sflag:s24] =	ssyncadd.s32 $0xFFFFFFFF  }
0xa6: {  	s26 =	simm.s32 $execute0_lowered;
	[smem:$0x3FD2] =	sst s25  }
0xa7: {  	s5 =	sshll.u32 s26, $0x1;
	_ =	strace $0x80000046;
	[dreg:$0x1] =	wrdreg $0xFFFFFFFF  }
0xa8: {  	s28 =	simm.s32 $_size_execute0_lowered;
	s4 =	sadd.s32 s4, s5;
	[dreg:$0x0] =	wrdreg $0x0  }
0xa9: {  	s5 =	sshll.u32 s28, $0x1;
	[dreg:$0x2] =	wrdreg s4  }
0xaa: {  	[dreg:$0x3] =	wrdreg s5  }
0xab: {  	[dreg:$0x4] =	wrdreg $0xC0  }
0xac: {  	_ =	task [dreg:s8], $0x5FFFF  }
0xad: {  	[dreg:$0x1] =	wrdreg $0xFFFFFFFF  }
0xae: {  	[dreg:$0x0] =	wrdreg $0x60  }
0xaf: {  	[dreg:$0x2] =	wrdreg s2  }
0xb0: {  	[dreg:$0x3] =	wrdreg s19  }
0xb1: {  	[dreg:$0x4] =	wrdreg $0x9  }
0xb2: {  	_ =	task.clear_ibuf [dreg:s8], $0x5FFFF;
	_ =	strace $0x90000046  }
0xb3: {  	s29 =	simm.s32 $0x9;
	_ =	strace $0x80000048  }
0xb4: {  	_ =	swait.ge [sflag:s29], $0x1  }
0xb5: {  	[sflag:s29] =	ssyncadd.s32 $0xFFFFFFFF  }
0xb6: {  	_ =	strace $0x90000048  }
0xb7: {  	_ =	sfence  }
0xb8: {  	s30 =	sld [smem:$0x0];
	_ =	sdelay $0x2  }
0xb9: {  	s31 =	sshll.u32 s1, $0xD;
	s1 =	sshrl.u32 s1, $0x2  }
0xba: {  	s3 =	sand.u32 $0x4000, s31;
	s1 =	sadd.s32 s1, s30  }
0xbb: {  	s0 =	sor.u32 s3, s0;
	s1 =	sshll.u32 s1, $0x11  }
0xbc: {  	s0 =	sor.u32 s1, s0  }
0xbd: {  	s0 =	sadd.s32 $0x8F2B, s0  }
0xbe: {  	[sflag:s0] =	ssyncadd.remote.s32 $0x1  }
0xbf: {  	_ =	sfence.sel $0xFFFF  }
0xc0: {  	[dreg:$0x0] =	wrdreg $0xFFFFFFFF;
	(pc) =	sbr.abs _section_cstart, $3  }
0xc1: {  	[dreg:$0x1] =	wrdreg $0xFFFFFFFF  }
0xc2: {  	_ =	task.clear_ibuf [dreg:s8], $0x2FFFF;
	_ =	strace $0x9FFFFFFF  }
0xc3: {  	(tm) =	ssettm $0x7FFFFFFF  }
tec
execute0_lowered:
.L_overlay_start_1:
0x0: {  	(tag) =	ssettag $0x1  }
0x1: {  	s0 =	rddreg [dreg:$0x0]  }
0x2: {  	s1 =	rddreg [dreg:$0x1];
	s2 =	simm.s32 $0x0  }
0x3: {  	s3 =	srdreg.scid;
	s9 =	stileid.u32;
	s28 =	simm.s32 $0x2  }
0x4: {  	s30 =	simm.s32 $0x3;
	s31 =	simm.s32 $0x14000;
	[smem:$0x7FF] =	sst s2  }
0x5: {  	s3 =	sand.u32 $0x1, s3;
	s5 =	sshll.u32 s9, $0x12;
	s18 =	sadd.s32 $0x4000, s0  }
0x6: {  	s9 =	sshll.u32 s9, $0x11;
	s23 =	sadd.s32 $0x2000, s1;
	s4 =	ssub.s32 $0x2, s3  }
0x7: {  	s3 =	sshll.u32 s3, $0x9;
	_ =	strace $0x80000047;
	s6 =	sshrl.u32 s4, $0x1  }
0x8: {  	s7 =	sor.u32 s3, s5;
	s19 =	sor.u32 $0x80, s3;
	s10 =	sor.u32 $0x100, s3  }
0x9: {  	s11 =	sor.u32 s3, s9;
	s3 =	sor.u32 $0x180, s3;
	s4 =	ssub.s32 s4, s6  }
0xa: {  	s17 =	sshrl.u32 s7, $0x3;
	s20 =	sor.u32 s5, s19;
	s12 =	sor.u32 s5, s10  }
0xb: {  	s11 =	sshrl.u32 s11, $0x3;
	s5 =	sor.u32 s5, s3;
	s26 =	sor.u32 s9, s10  }
0xc: {  	s3 =	sor.u32 s9, s3;
	s7 =	simm.s32 $0x0;
	s8 =	sadd.s32 s0, s17  }
0xd: {  	s6 =	sadd.s32 s17, s18;
	s12 =	sshrl.u32 s12, $0x3;
	s21 =	sadd.s32 s1, s11  }
0xe: {  	s11 =	sadd.s32 s11, s23;
	s5 =	sshrl.u32 s5, $0x3;
	[dreg:$0x3] =	wrdreg s8  }
0xf: {  	s29 =	sshrl.u32 s3, $0x3;
	s3 =	simm.s32 $0x5;
	[dreg:$0x4] =	wrdreg s6  }
0x10: {  	s8 =	sshrl.u32 s20, $0x3;
	[dreg:$0x7] =	wrdreg s21;
	s22 =	sadd.s32 s0, s12  }
0x11: {  	s6 =	sor.u32 s9, s19;
	[dreg:$0x9] =	wrdreg s11;
	s24 =	sadd.s32 s12, s18  }
0x12: {  	s14 =	sadd.s32 s5, s18;
	s17 =	sadd.s32 s1, s29;
	s19 =	smax.u32 s4, $0x1  }
0x13: {  	s20 =	simm.s32 $0x80;
	s21 =	simm.s32 $0x400;
	s4 =	simm.s32 $0x6  }
0x14: {  	s13 =	sadd.s32 s0, s8;
	s8 =	sadd.s32 s8, s18;
	[dreg:$0x8] =	wrdreg s22  }
0x15: {  	s6 =	sshrl.u32 s6, $0x3;
	[dreg:$0xa] =	wrdreg s24;
	s0 =	sadd.s32 s0, s5  }
0x16: {  	s18 =	sadd.s32 s29, s23;
	s22 =	simm.s32 $0x4000;
	[dreg:$0x5] =	wrdreg s13  }
0x17: {  	s24 =	simm.s32 $0x1;
	s5 =	simm.s32 $0x7;
	[dreg:$0x6] =	wrdreg s8  }
0x18: {  	v0 =	vlaneseq.u32;
	s25 =	sadd.s32 s1, s6;
	[dreg:$0xc] =	wrdreg s0;
	s13 =	sadd.s32 s6, s23  }
0x19: {  	v1 =	vimm.s32 $0x0;
	vm0 =	vcmask $0x300;
	v0 =	vmul.u32 $0x2, v0;
	s0 =	sshrl.u32 s26, $0x3;
	s6 =	simm.s32 $0x8;
	[dreg:$0xb] =	wrdreg s25  }
0x1a: {  	v1 =	vsel vm0, $0x7, v1;
	s15 =	sadd.s32 s1, s0;
	s16 =	sadd.s32 s0, s23;
	s23 =	simm.s32 $0x8000  }
0x1b: {  	v2 =	vor.u32 $0x20, v0;
	v3 =	vor.u32 $0x40, v0;
	v4 =	vor.u32 $0x60, v0;
	s25 =	simm.s32 $0xC000;
	s0 =	simm.s32 $0x4;
	s1 =	simm.s32 $0x16000  }
.LBB2_1:
0x1c: {  	v5 =	vmov s2  }
0x1d: {  	s12 =	simm.s32 $0x80;
	s9 =	simm.s32 $0xE0;
	s10 =	simm.s32 $0xA0;
	v5 =	vshrl.u32 v5, $0x7  }
0x1e: {  	s8 =	rddreg [dreg:$0x3];
	s26 =	simm.s32 $0xC0;
	v6 =	vmov s12;
	v7 =	vmov s9;
	v8 =	vmov s10  }
0x1f: {  	[tilespmem:s2], [sflag:$0x1] =	stream.strided.gather [hbm4b:s8+s20], $0x4000, s21, s20, $0x38;
	v9 =	vmov s26;
	v7 =	vshrl.u32 v7, $0x7;
	v6 =	vshrl.u32 v6, $0x7;
	[tilespmem:$0x18000] =	vst v63  }
0x20: {  	s11 =	rddreg [dreg:$0x4];
	s10 =	simm.s32 $0x100;
	v8 =	vshrl.u32 v8, $0x7;
	v9 =	vshrl.u32 v9, $0x7;
	v7 =	vshll.u32 v7, v1  }
0x21: {  	v5 =	vshll.u32 v5, v1;
	[tilespmem:s22], [sflag:$0x2] =	stream.strided.gather [hbm4b:s11+s20], $0x4000, s21, s20, $0x38;
	v6 =	vshll.u32 v6, v1;
	v7 =	vbroadcast v7, $0x0;
	[tilespmem:$0x18000] =	vst v63  }
0x22: {  	s29 =	rddreg [dreg:$0x5];
	v10 =	vmov s10;
	v8 =	vshll.u32 v8, v1;
	v6 =	vbroadcast v6, $0x0  }
0x23: {  	v9 =	vshll.u32 v9, v1;
	v8 =	vbroadcast v8, $0x0;
	[tilespmem:s23], [sflag:$0x3] =	stream.strided.gather [hbm4b:s29+s20], $0x4000, s21, s20, $0x38;
	v7 =	vor.u32 v4, v7;
	[tilespmem:$0x18000] =	vst v63  }
0x24: {  	s12 =	simm.s32 $0x1E0;
	v5 =	vbroadcast v5, $0x0;
	v9 =	vbroadcast v9, $0x0;
	_ =	swait.ge [sflag:s24], $0x4000;
	v6 =	vor.u32 v0, v6  }
0x25: {  	s26 =	simm.s32 $0x1A0;
	v14 =	vmov s12;
	s11 =	simm.s32 $0x180;
	v10 =	vshrl.u32 v10, $0x7;
	v8 =	vor.u32 v2, v8;
	[sflag:s24] =	ssyncset.done $0x0  }
0x26: {  	v14 =	vshrl.u32 v14, $0x7;
	v11 =	vor.u32 v0, v5;
	s29 =	simm.s32 $0x1C0;
	v9 =	vor.u32 v3, v9;
	s9 =	rddreg [dreg:$0x6];
	[sflag:s24] =	ssyncadd.s32 $0xFFFFC000  }
0x27: {  	v12 =	vor.u32 v2, v5;
	v13 =	vor.u32 v3, v5;
	v19 =	vor.u32 v4, v5;
	[tilespmem:s25], [sflag:$0x4] =	stream.strided.gather [hbm4b:s9+s20], $0x4000, s21, s20, $0x38;
	[tilespmem:$0x18000] =	vst v63  }
0x28: {  	v5 =	vmov s11;
	v16 =	vmov s29;
	v15 =	vld.idx.msk [tilespmem:v7+s2+$0x0], $0xffff;
	v7 =	vmov s26  }
0x29: {  	v5 =	vshrl.u32 v5, $0x7;
	v17 =	vshrl.u32 v7, $0x7;
	v7 =	vld.idx.msk [tilespmem:v6+s2+$0x0], $0xffff;
	v6 =	vshll.u32 v14, v1  }
0x2a: {  	v16 =	vshrl.u32 v16, $0x7;
	v14 =	vshll.u32 v5, v1;
	v5 =	vld.idx.msk [tilespmem:v8+s2+$0x0], $0xffff;
	v6 =	vbroadcast v6, $0x0  }
0x2b: {  	v8 =	vshll.u32 v10, v1;
	v10 =	vld.idx.msk [tilespmem:v9+s2+$0x0], $0xffff;
	v9 =	vshll.u32 v16, v1;
	v17 =	vshll.u32 v17, v1  }
0x2c: {  	v11 =	vld.idx.msk [tilespmem:v11+s2+$0x0], $0xffff;
	v14 =	vbroadcast v14, $0x0;
	v18 =	vbroadcast v8, $0x0;
	v16 =	vor.u32 v4, v6  }
0x2d: {  	v12 =	vld.idx.msk [tilespmem:v12+s2+$0x0], $0xffff;
	v20 =	vbroadcast v17, $0x0;
	v6 =	vbroadcast v9, $0x0  }
0x2e: {  	s8 =	simm.s32 $0x10040;
	v17 =	vor.u32 v0, v14;
	v9 =	vld.idx.msk [tilespmem:v13+s2+$0x0], $0xffff;
	v13 =	vor.u32 v0, v18;
	v8 =	vor.u32 v2, v18  }
0x2f: {  	s10 =	simm.s32 $0x200;
	s9 =	simm.s32 $0x10040;
	s26 =	simm.s32 $0x8;
	[tilespmem:s8+$0x30] =	vst v15;
	v14 =	vor.u32 v2, v20;
	v15 =	vor.u32 v3, v6;
	v6 =	vld.idx.msk [tilespmem:v19+s2+$0x0], $0xffff  }
.LBB2_2:
0x30: {  	v19 =	vmov s10;
	s11 =	sadd.s32 $0x80, s10;
	s29 =	sadd.s32 $0xE0, s10;
	s26 =	sadd.s32 $0x8, s26;
	v20 =	vor.u32 v3, v18;
	v21 =	vor.u32 v4, v18;
	[tilespmem:s8+$0x0] =	vst v7  }
0x31: {  	s12 =	sadd.s32 $0xC0, s10;
	v18 =	vshrl.u32 v19, $0x7;
	v7 =	vmov s11;
	s11 =	sadd.s32 $0xA0, s10;
	v19 =	vmov s29;
	p0 =	slt.u32 s26, $0x1F8;
	v22 =	vld.idx.msk [tilespmem:v16+s2+$0x0], $0xffff;
	[tilespmem:s8+$0x10] =	vst v5  }
0x32: {  	v16 =	vmov s12;
	v5 =	vmov s11;
	v19 =	vshrl.u32 v19, $0x7;
	[tilespmem:s8+$0x20] =	vst v10  }
0x33: {  	v10 =	vshrl.u32 v7, $0x7;
	v23 =	vshrl.u32 v5, $0x7;
	v5 =	vshll.u32 v19, v1;
	v7 =	vld.idx.msk [tilespmem:v17+s2+$0x0], $0xffff;
	[tilespmem:s8+$0xFFFFFFC0] =	vst v11  }
0x34: {  	v11 =	vshll.u32 v10, v1;
	v10 =	vshrl.u32 v16, $0x7;
	v16 =	vbroadcast v5, $0x0;
	v5 =	vld.idx.msk [tilespmem:v14+s2+$0x0], $0xffff;
	[tilespmem:s8+$0xFFFFFFD0] =	vst v12  }
.Ltmp0:
0x35: {  	v12 =	vshll.u32 v18, v1;
	v14 =	vshll.u32 v23, v1;
	v17 =	vshll.u32 v10, v1;
	v10 =	vld.idx.msk [tilespmem:v15+s2+$0x0], $0xffff;
	(pc) =	sbr.rel @p0 .LBB2_2-.Ltmp0, $4  }
0x36: {  	s8 =	sadd.s32 $0x80, s8;
	v15 =	vbroadcast v11, $0x0;
	v14 =	vbroadcast v14, $0x0;
	v16 =	vor.u32 v4, v16;
	v11 =	vld.idx.msk [tilespmem:v13+s2+$0x0], $0xffff;
	[tilespmem:s9+$0xFFFFFFE0] =	vst v9  }
0x37: {  	v18 =	vbroadcast v12, $0x0;
	v19 =	vbroadcast v17, $0x0;
	v12 =	vld.idx.msk [tilespmem:v8+s2+$0x0], $0xffff;
	[tilespmem:s8+$0x30] =	vst v22  }
0x38: {  	v17 =	vor.u32 v0, v15;
	v14 =	vor.u32 v2, v14;
	v9 =	vld.idx.msk [tilespmem:v20+s2+$0x0], $0xffff;
	[tilespmem:s9+$0xFFFFFFF0] =	vst v6;
	s9 =	smov.u32 s8  }
0x39: {  	s10 =	sadd.s32 $0x100, s10;
	v13 =	vor.u32 v0, v18;
	v8 =	vor.u32 v2, v18;
	v15 =	vor.u32 v3, v19;
	v6 =	vld.idx.msk [tilespmem:v21+s2+$0x0], $0xffff  }
0x3a: {  	_ =	sdelay $0x2  }
0x3b: {  	[tilespmem:s8+$0x0] =	vst v7  }
0x3c: {  	v7 =	vld.idx.msk [tilespmem:v16+s2+$0x0], $0xffff;
	[tilespmem:s8+$0x10] =	vst v5  }
0x3d: {  	[tilespmem:s8+$0x20] =	vst v10;
	v5 =	vor.u32 v3, v18  }
0x3e: {  	v10 =	vld.idx.msk [tilespmem:v17+s2+$0x0], $0xffff;
	[tilespmem:s8+$0xFFFFFFC0] =	vst v11  }
0x3f: {  	v11 =	vor.u32 v4, v18;
	[tilespmem:s9+$0xFFFFFFE0] =	vst v9;
	v9 =	vld.idx.msk [tilespmem:v13+s2+$0x0], $0xffff  }
0x40: {  	v14 =	vld.idx.msk [tilespmem:v14+s2+$0x0], $0xffff;
	s26 =	sadd.s32 $0x80, s8;
	[tilespmem:s8+$0xFFFFFFD0] =	vst v12  }
0x41: {  	[tilespmem:s26+$0x30] =	vst v7;
	v7 =	vld.idx.msk [tilespmem:v8+s2+$0x0], $0xffff  }
0x42: {  	[tilespmem:s9+$0xFFFFFFF0] =	vst v6;
	v5 =	vld.idx.msk [tilespmem:v5+s2+$0x0], $0xffff  }
0x43: {  	s12 =	simm.s32 $0xA0;
	v12 =	vld.idx.msk [tilespmem:v15+s2+$0x0], $0xffff;
	[tilespmem:s26+$0x0] =	vst v10  }
0x44: {  	s9 =	simm.s32 $0x0;
	v6 =	vld.idx.msk [tilespmem:v11+s2+$0x0], $0xffff;
	[tilespmem:s26+$0xFFFFFFC0] =	vst v9;
	v9 =	vmov s12  }
0x45: {  	s11 =	simm.s32 $0xE0;
	[tilespmem:s26+$0x10] =	vst v14;
	v8 =	vmov s9;
	s12 =	simm.s32 $0x1E0;
	v9 =	vshrl.u32 v9, $0x7  }
0x46: {  	s10 =	simm.s32 $0x80;
	v14 =	vmov s12;
	[tilespmem:s26+$0xFFFFFFD0] =	vst v7;
	v7 =	vshrl.u32 v8, $0x7;
	v8 =	vmov s11  }
0x47: {  	[tilespmem:s26+$0xFFFFFFE0] =	vst v5;
	v5 =	vmov s10;
	v9 =	vshll.u32 v9, v1;
	v8 =	vshrl.u32 v8, $0x7  }
0x48: {  	s29 =	simm.s32 $0xC0;
	[tilespmem:s26+$0x20] =	vst v12;
	v14 =	vshrl.u32 v14, $0x7;
	v5 =	vshrl.u32 v5, $0x7;
	v8 =	vshll.u32 v8, v1  }
0x49: {  	[tilespmem:s26+$0xFFFFFFF0] =	vst v6;
	v6 =	vmov s29;
	v5 =	vshll.u32 v5, v1;
	v8 =	vbroadcast v8, $0x0  }
0x4a: {  	s10 =	simm.s32 $0x100;
	s26 =	simm.s32 $0x10000;
	v7 =	vshll.u32 v7, v1;
	v9 =	vbroadcast v9, $0x0;
	s8 =	rddreg [dreg:$0x7];
	v5 =	vbroadcast v5, $0x0  }
0x4b: {  	v6 =	vshrl.u32 v6, $0x7;
	v7 =	vbroadcast v7, $0x0;
	[hbm4b:s8+s20] =	stream.strided.scatter [tilespmem:s26], [sflag:$0x5], $0x2000, s21, s20, $0x38;
	v8 =	vor.u32 v4, v8;
	[tilespmem:$0x18000] =	vst v63  }
0x4c: {  	v10 =	vmov s10;
	v6 =	vshll.u32 v6, v1;
	_ =	swait.ge [sflag:s28], $0x4000;
	v5 =	vor.u32 v0, v5  }
0x4d: {  	s11 =	simm.s32 $0x180;
	v9 =	vor.u32 v2, v9;
	v6 =	vbroadcast v6, $0x0;
	v11 =	vor.u32 v0, v7;
	[sflag:s28] =	ssyncset.done $0x0  }
0x4e: {  	s26 =	simm.s32 $0x1A0;
	v12 =	vor.u32 v2, v7;
	v13 =	vor.u32 v3, v7;
	v19 =	vor.u32 v4, v7;
	s29 =	rddreg [dreg:$0x8];
	[sflag:s28] =	ssyncadd.s32 $0xFFFFC000  }
0x4f: {  	v7 =	vmov s11;
	v15 =	vmov s26;
	v6 =	vor.u32 v3, v6;
	[tilespmem:s9], [sflag:$0x1] =	stream.strided.gather [hbm4b:s29+s20], $0x4000, s21, s20, $0x38;
	[tilespmem:$0x18000] =	vst v63  }
0x50: {  	v14 =	vshll.u32 v14, v1;
	v17 =	vshrl.u32 v7, $0x7;
	v15 =	vshrl.u32 v15, $0x7;
	v8 =	vld.idx.msk [tilespmem:v8+s22+$0x0], $0xffff  }
0x51: {  	v10 =	vshrl.u32 v10, $0x7;
	v17 =	vshll.u32 v17, v1;
	v15 =	vshll.u32 v15, v1;
	s29 =	simm.s32 $0x1C0;
	v7 =	vld.idx.msk [tilespmem:v5+s22+$0x0], $0xffff  }
0x52: {  	v17 =	vbroadcast v17, $0x0;
	v16 =	vmov s29;
	v5 =	vld.idx.msk [tilespmem:v9+s22+$0x0], $0xffff;
	v9 =	vbroadcast v14, $0x0  }
0x53: {  	v15 =	vbroadcast v15, $0x0;
	v16 =	vshrl.u32 v16, $0x7;
	v11 =	vld.idx.msk [tilespmem:v11+s22+$0x0], $0xffff;
	v14 =	vshll.u32 v10, v1  }
0x54: {  	v10 =	vld.idx.msk [tilespmem:v6+s22+$0x0], $0xffff;
	v6 =	vshll.u32 v16, v1;
	v18 =	vbroadcast v14, $0x0;
	v16 =	vor.u32 v4, v9  }
0x55: {  	v12 =	vld.idx.msk [tilespmem:v12+s22+$0x0], $0xffff;
	v6 =	vbroadcast v6, $0x0  }
0x56: {  	s8 =	simm.s32 $0x12040;
	v17 =	vor.u32 v0, v17;
	v14 =	vor.u32 v2, v15;
	v9 =	vld.idx.msk [tilespmem:v13+s22+$0x0], $0xffff;
	v13 =	vor.u32 v0, v18  }
0x57: {  	s10 =	simm.s32 $0x200;
	s26 =	simm.s32 $0x8;
	s9 =	simm.s32 $0x12040;
	v15 =	vor.u32 v3, v6;
	v6 =	vld.idx.msk [tilespmem:v19+s22+$0x0], $0xffff;
	[tilespmem:s8+$0x30] =	vst v8;
	v8 =	vor.u32 v2, v18  }
.LBB2_4:
0x58: {  	v19 =	vmov s10;
	s11 =	sadd.s32 $0x80, s10;
	s12 =	sadd.s32 $0xE0, s10;
	s26 =	sadd.s32 $0x8, s26;
	v20 =	vor.u32 v3, v18;
	v21 =	vor.u32 v4, v18;
	[tilespmem:s8+$0x0] =	vst v7  }
0x59: {  	s29 =	sadd.s32 $0xC0, s10;
	v18 =	vshrl.u32 v19, $0x7;
	v7 =	vmov s11;
	s11 =	sadd.s32 $0xA0, s10;
	v19 =	vmov s12;
	p0 =	slt.u32 s26, $0x1F8;
	v22 =	vld.idx.msk [tilespmem:v16+s22+$0x0], $0xffff;
	[tilespmem:s8+$0x10] =	vst v5  }
0x5a: {  	v16 =	vmov s29;
	v5 =	vmov s11;
	v19 =	vshrl.u32 v19, $0x7;
	[tilespmem:s8+$0x20] =	vst v10  }
0x5b: {  	v10 =	vshrl.u32 v7, $0x7;
	v23 =	vshrl.u32 v5, $0x7;
	v5 =	vshll.u32 v19, v1;
	v7 =	vld.idx.msk [tilespmem:v17+s22+$0x0], $0xffff;
	[tilespmem:s8+$0xFFFFFFC0] =	vst v11  }
0x5c: {  	v11 =	vshll.u32 v10, v1;
	v10 =	vshrl.u32 v16, $0x7;
	v16 =	vbroadcast v5, $0x0;
	v5 =	vld.idx.msk [tilespmem:v14+s22+$0x0], $0xffff;
	[tilespmem:s8+$0xFFFFFFD0] =	vst v12  }
.Ltmp1:
0x5d: {  	v12 =	vshll.u32 v18, v1;
	v14 =	vshll.u32 v23, v1;
	v17 =	vshll.u32 v10, v1;
	v10 =	vld.idx.msk [tilespmem:v15+s22+$0x0], $0xffff;
	(pc) =	sbr.rel @p0 .LBB2_4-.Ltmp1, $4  }
0x5e: {  	s8 =	sadd.s32 $0x80, s8;
	v15 =	vbroadcast v11, $0x0;
	v14 =	vbroadcast v14, $0x0;
	v16 =	vor.u32 v4, v16;
	v11 =	vld.idx.msk [tilespmem:v13+s22+$0x0], $0xffff;
	[tilespmem:s9+$0xFFFFFFE0] =	vst v9  }
0x5f: {  	v18 =	vbroadcast v12, $0x0;
	v19 =	vbroadcast v17, $0x0;
	v12 =	vld.idx.msk [tilespmem:v8+s22+$0x0], $0xffff;
	[tilespmem:s8+$0x30] =	vst v22  }
0x60: {  	v17 =	vor.u32 v0, v15;
	v14 =	vor.u32 v2, v14;
	v9 =	vld.idx.msk [tilespmem:v20+s22+$0x0], $0xffff;
	[tilespmem:s9+$0xFFFFFFF0] =	vst v6;
	s9 =	smov.u32 s8  }
0x61: {  	s10 =	sadd.s32 $0x100, s10;
	v13 =	vor.u32 v0, v18;
	v8 =	vor.u32 v2, v18;
	v15 =	vor.u32 v3, v19;
	v6 =	vld.idx.msk [tilespmem:v21+s22+$0x0], $0xffff  }
0x62: {  	_ =	sdelay $0x3  }
0x63: {  	[tilespmem:s8+$0x0] =	vst v7;
	v7 =	vld.idx.msk [tilespmem:v16+s22+$0x0], $0xffff  }
0x64: {  	[tilespmem:s8+$0x10] =	vst v5;
	v5 =	vor.u32 v3, v18  }
0x65: {  	[tilespmem:s8+$0xFFFFFFC0] =	vst v11;
	v11 =	vor.u32 v4, v18  }
0x66: {  	[tilespmem:s8+$0x20] =	vst v10;
	v10 =	vld.idx.msk [tilespmem:v17+s22+$0x0], $0xffff  }
0x67: {  	s29 =	sadd.s32 $0x80, s8;
	[tilespmem:s9+$0xFFFFFFE0] =	vst v9;
	v9 =	vld.idx.msk [tilespmem:v13+s22+$0x0], $0xffff  }
0x68: {  	[tilespmem:s29+$0x30] =	vst v7;
	v7 =	vld.idx.msk [tilespmem:v8+s22+$0x0], $0xffff  }
0x69: {  	[tilespmem:s8+$0xFFFFFFD0] =	vst v12;
	v5 =	vld.idx.msk [tilespmem:v5+s22+$0x0], $0xffff  }
0x6a: {  	s11 =	simm.s32 $0x0;
	[tilespmem:s9+$0xFFFFFFF0] =	vst v6;
	v6 =	vld.idx.msk [tilespmem:v11+s22+$0x0], $0xffff  }
0x6b: {  	v14 =	vld.idx.msk [tilespmem:v14+s22+$0x0], $0xffff;
	[tilespmem:s29+$0x0] =	vst v10;
	v8 =	vmov s11;
	s11 =	simm.s32 $0xA0  }
0x6c: {  	v12 =	vld.idx.msk [tilespmem:v15+s22+$0x0], $0xffff;
	[tilespmem:s29+$0xFFFFFFC0] =	vst v9;
	v9 =	vmov s11  }
0x6d: {  	s12 =	simm.s32 $0x80;
	s10 =	simm.s32 $0xE0;
	v9 =	vshrl.u32 v9, $0x7;
	[tilespmem:s29+$0xFFFFFFD0] =	vst v7  }
0x6e: {  	s26 =	simm.s32 $0xC0;
	v7 =	vshrl.u32 v8, $0x7;
	[tilespmem:s29+$0xFFFFFFE0] =	vst v5;
	v5 =	vmov s12;
	v8 =	vmov s10  }
0x6f: {  	v9 =	vshll.u32 v9, v1;
	[tilespmem:s29+$0xFFFFFFF0] =	vst v6;
	v6 =	vmov s26;
	v8 =	vshrl.u32 v8, $0x7  }
0x70: {  	[tilespmem:s29+$0x10] =	vst v14;
	v5 =	vshrl.u32 v5, $0x7;
	v7 =	vshll.u32 v7, v1;
	v8 =	vshll.u32 v8, v1  }
0x71: {  	[tilespmem:s29+$0x20] =	vst v12;
	s10 =	simm.s32 $0x100;
	s12 =	simm.s32 $0x1E0;
	v9 =	vbroadcast v9, $0x0;
	v5 =	vshll.u32 v5, v1;
	v8 =	vbroadcast v8, $0x0  }
0x72: {  	s29 =	simm.s32 $0x12000;
	v10 =	vmov s10;
	v14 =	vmov s12;
	s8 =	rddreg [dreg:$0x9];
	v5 =	vbroadcast v5, $0x0  }
0x73: {  	v6 =	vshrl.u32 v6, $0x7;
	v7 =	vbroadcast v7, $0x0;
	[hbm4b:s8+s20] =	stream.strided.scatter [tilespmem:s29], [sflag:$0x6], $0x2000, s21, s20, $0x38;
	v8 =	vor.u32 v4, v8;
	[tilespmem:$0x18000] =	vst v63  }
0x74: {  	s26 =	simm.s32 $0x1A0;
	v10 =	vshrl.u32 v10, $0x7;
	v6 =	vshll.u32 v6, v1;
	_ =	swait.ge [sflag:s30], $0x4000;
	v5 =	vor.u32 v0, v5  }
0x75: {  	v15 =	vmov s26;
	v9 =	vor.u32 v2, v9;
	v6 =	vbroadcast v6, $0x0;
	[sflag:s30] =	ssyncset.done $0x0  }
0x76: {  	s11 =	simm.s32 $0x180;
	v14 =	vshrl.u32 v14, $0x7;
	v15 =	vshrl.u32 v15, $0x7;
	v11 =	vor.u32 v0, v7;
	s9 =	rddreg [dreg:$0xa];
	[sflag:s30] =	ssyncadd.s32 $0xFFFFC000  }
0x77: {  	v14 =	vshll.u32 v14, v1;
	v12 =	vor.u32 v2, v7;
	v6 =	vor.u32 v3, v6;
	[tilespmem:s22], [sflag:$0x2] =	stream.strided.gather [hbm4b:s9+s20], $0x4000, s21, s20, $0x38;
	[tilespmem:$0x18000] =	vst v63  }
0x78: {  	s29 =	simm.s32 $0x1C0;
	v13 =	vor.u32 v3, v7;
	v19 =	vor.u32 v4, v7;
	v7 =	vmov s11;
	v8 =	vld.idx.msk [tilespmem:v8+s23+$0x0], $0xffff  }
0x79: {  	v16 =	vmov s29;
	v15 =	vshll.u32 v15, v1;
	v17 =	vshrl.u32 v7, $0x7;
	v7 =	vld.idx.msk [tilespmem:v5+s23+$0x0], $0xffff  }
0x7a: {  	v16 =	vshrl.u32 v16, $0x7;
	v17 =	vshll.u32 v17, v1;
	v5 =	vld.idx.msk [tilespmem:v9+s23+$0x0], $0xffff;
	v9 =	vbroadcast v14, $0x0  }
0x7b: {  	v15 =	vbroadcast v15, $0x0;
	v17 =	vbroadcast v17, $0x0;
	v11 =	vld.idx.msk [tilespmem:v11+s23+$0x0], $0xffff;
	v14 =	vshll.u32 v10, v1  }
0x7c: {  	v10 =	vld.idx.msk [tilespmem:v6+s23+$0x0], $0xffff;
	v6 =	vshll.u32 v16, v1;
	v18 =	vbroadcast v14, $0x0;
	v16 =	vor.u32 v4, v9  }
0x7d: {  	v12 =	vld.idx.msk [tilespmem:v12+s23+$0x0], $0xffff;
	v6 =	vbroadcast v6, $0x0  }
0x7e: {  	s8 =	simm.s32 $0x14040;
	v17 =	vor.u32 v0, v17;
	v14 =	vor.u32 v2, v15;
	v9 =	vld.idx.msk [tilespmem:v13+s23+$0x0], $0xffff;
	v13 =	vor.u32 v0, v18  }
0x7f: {  	s10 =	simm.s32 $0x200;
	s26 =	simm.s32 $0x8;
	s9 =	simm.s32 $0x14040;
	v15 =	vor.u32 v3, v6;
	v6 =	vld.idx.msk [tilespmem:v19+s23+$0x0], $0xffff;
	[tilespmem:s8+$0x30] =	vst v8;
	v8 =	vor.u32 v2, v18  }
.LBB2_6:
0x80: {  	v19 =	vmov s10;
	s11 =	sadd.s32 $0x80, s10;
	s12 =	sadd.s32 $0xE0, s10;
	s26 =	sadd.s32 $0x8, s26;
	v20 =	vor.u32 v3, v18;
	v21 =	vor.u32 v4, v18;
	[tilespmem:s8+$0x0] =	vst v7  }
0x81: {  	s29 =	sadd.s32 $0xC0, s10;
	v18 =	vshrl.u32 v19, $0x7;
	v7 =	vmov s11;
	s11 =	sadd.s32 $0xA0, s10;
	v19 =	vmov s12;
	p0 =	slt.u32 s26, $0x1F8;
	v22 =	vld.idx.msk [tilespmem:v16+s23+$0x0], $0xffff;
	[tilespmem:s8+$0x10] =	vst v5  }
0x82: {  	v16 =	vmov s29;
	v5 =	vmov s11;
	v19 =	vshrl.u32 v19, $0x7;
	[tilespmem:s8+$0x20] =	vst v10  }
0x83: {  	v10 =	vshrl.u32 v7, $0x7;
	v23 =	vshrl.u32 v5, $0x7;
	v5 =	vshll.u32 v19, v1;
	v7 =	vld.idx.msk [tilespmem:v17+s23+$0x0], $0xffff;
	[tilespmem:s8+$0xFFFFFFC0] =	vst v11  }
0x84: {  	v11 =	vshll.u32 v10, v1;
	v10 =	vshrl.u32 v16, $0x7;
	v16 =	vbroadcast v5, $0x0;
	v5 =	vld.idx.msk [tilespmem:v14+s23+$0x0], $0xffff;
	[tilespmem:s8+$0xFFFFFFD0] =	vst v12  }
.Ltmp2:
0x85: {  	v12 =	vshll.u32 v18, v1;
	v14 =	vshll.u32 v23, v1;
	v17 =	vshll.u32 v10, v1;
	v10 =	vld.idx.msk [tilespmem:v15+s23+$0x0], $0xffff;
	(pc) =	sbr.rel @p0 .LBB2_6-.Ltmp2, $4  }
0x86: {  	s8 =	sadd.s32 $0x80, s8;
	v15 =	vbroadcast v11, $0x0;
	v14 =	vbroadcast v14, $0x0;
	v16 =	vor.u32 v4, v16;
	v11 =	vld.idx.msk [tilespmem:v13+s23+$0x0], $0xffff;
	[tilespmem:s9+$0xFFFFFFE0] =	vst v9  }
0x87: {  	v18 =	vbroadcast v12, $0x0;
	v19 =	vbroadcast v17, $0x0;
	v12 =	vld.idx.msk [tilespmem:v8+s23+$0x0], $0xffff;
	[tilespmem:s8+$0x30] =	vst v22  }
0x88: {  	v17 =	vor.u32 v0, v15;
	v14 =	vor.u32 v2, v14;
	v9 =	vld.idx.msk [tilespmem:v20+s23+$0x0], $0xffff;
	[tilespmem:s9+$0xFFFFFFF0] =	vst v6;
	s9 =	smov.u32 s8  }
0x89: {  	s10 =	sadd.s32 $0x100, s10;
	v13 =	vor.u32 v0, v18;
	v8 =	vor.u32 v2, v18;
	v15 =	vor.u32 v3, v19;
	v6 =	vld.idx.msk [tilespmem:v21+s23+$0x0], $0xffff  }
0x8a: {  	_ =	sdelay $0x2  }
0x8b: {  	[tilespmem:s8+$0x0] =	vst v7  }
0x8c: {  	v7 =	vld.idx.msk [tilespmem:v16+s23+$0x0], $0xffff;
	[tilespmem:s8+$0x10] =	vst v5  }
0x8d: {  	[tilespmem:s8+$0x20] =	vst v10;
	v5 =	vor.u32 v3, v18  }
0x8e: {  	v10 =	vld.idx.msk [tilespmem:v17+s23+$0x0], $0xffff;
	[tilespmem:s8+$0xFFFFFFC0] =	vst v11  }
0x8f: {  	v14 =	vld.idx.msk [tilespmem:v14+s23+$0x0], $0xffff;
	v11 =	vor.u32 v4, v18;
	[tilespmem:s8+$0xFFFFFFD0] =	vst v12  }
0x90: {  	s8 =	sadd.s32 $0x80, s8;
	[tilespmem:s9+$0xFFFFFFE0] =	vst v9;
	v9 =	vld.idx.msk [tilespmem:v13+s23+$0x0], $0xffff  }
0x91: {  	[tilespmem:s8+$0x30] =	vst v7;
	v7 =	vld.idx.msk [tilespmem:v8+s23+$0x0], $0xffff  }
0x92: {  	s12 =	simm.s32 $0x0;
	[tilespmem:s9+$0xFFFFFFF0] =	vst v6;
	v5 =	vld.idx.msk [tilespmem:v5+s23+$0x0], $0xffff  }
0x93: {  	v12 =	vld.idx.msk [tilespmem:v15+s23+$0x0], $0xffff;
	[tilespmem:s8+$0x0] =	vst v10;
	v8 =	vmov s12;
	s12 =	simm.s32 $0x1E0  }
0x94: {  	[tilespmem:s8+$0x10] =	vst v14;
	v6 =	vld.idx.msk [tilespmem:v11+s23+$0x0], $0xffff;
	v14 =	vmov s12  }
0x95: {  	s10 =	simm.s32 $0xE0;
	s11 =	simm.s32 $0xA0;
	v14 =	vshrl.u32 v14, $0x7;
	[tilespmem:s8+$0xFFFFFFC0] =	vst v9  }
0x96: {  	s26 =	simm.s32 $0x80;
	v9 =	vmov s11;
	[tilespmem:s8+$0xFFFFFFD0] =	vst v7;
	v7 =	vshrl.u32 v8, $0x7;
	v8 =	vmov s10  }
0x97: {  	v14 =	vshll.u32 v14, v1;
	[tilespmem:s8+$0xFFFFFFE0] =	vst v5;
	v5 =	vmov s26;
	v8 =	vshrl.u32 v8, $0x7  }
0x98: {  	[tilespmem:s8+$0x20] =	vst v12;
	v9 =	vshrl.u32 v9, $0x7;
	v5 =	vshrl.u32 v5, $0x7;
	v8 =	vshll.u32 v8, v1  }
0x99: {  	s29 =	simm.s32 $0xC0;
	v9 =	vshll.u32 v9, v1;
	[tilespmem:s8+$0xFFFFFFF0] =	vst v6;
	v5 =	vshll.u32 v5, v1;
	v8 =	vbroadcast v8, $0x0  }
0x9a: {  	v6 =	vmov s29;
	v7 =	vshll.u32 v7, v1;
	s8 =	rddreg [dreg:$0xb];
	v5 =	vbroadcast v5, $0x0  }
0x9b: {  	v9 =	vbroadcast v9, $0x0;
	v6 =	vshrl.u32 v6, $0x7;
	[hbm4b:s8+s20] =	stream.strided.scatter [tilespmem:s31], [sflag:$0x7], $0x2000, s21, s20, $0x38;
	v8 =	vor.u32 v4, v8;
	[tilespmem:$0x18000] =	vst v63  }
0x9c: {  	s10 =	simm.s32 $0x100;
	v7 =	vbroadcast v7, $0x0;
	v6 =	vshll.u32 v6, v1;
	_ =	swait.ge [sflag:s0], $0x4000;
	v5 =	vor.u32 v0, v5  }
0x9d: {  	s11 =	simm.s32 $0x180;
	s26 =	simm.s32 $0x1A0;
	v10 =	vmov s10;
	v9 =	vor.u32 v2, v9;
	v6 =	vbroadcast v6, $0x0;
	[sflag:s0] =	ssyncset.done $0x0  }
0x9e: {  	s29 =	simm.s32 $0x1C0;
	v15 =	vmov s26;
	v10 =	vshrl.u32 v10, $0x7;
	v11 =	vor.u32 v0, v7;
	s9 =	rddreg [dreg:$0xc];
	[sflag:s0] =	ssyncadd.s32 $0xFFFFC000  }
0x9f: {  	v16 =	vmov s29;
	v12 =	vor.u32 v2, v7;
	v6 =	vor.u32 v3, v6;
	[tilespmem:s23], [sflag:$0x3] =	stream.strided.gather [hbm4b:s9+s20], $0x4000, s21, s20, $0x38;
	[tilespmem:$0x18000] =	vst v63  }
0xa0: {  	v13 =	vor.u32 v3, v7;
	v19 =	vor.u32 v4, v7;
	v7 =	vmov s11;
	v8 =	vld.idx.msk [tilespmem:v8+s25+$0x0], $0xffff  }
0xa1: {  	v15 =	vshrl.u32 v15, $0x7;
	v16 =	vshrl.u32 v16, $0x7;
	v17 =	vshrl.u32 v7, $0x7;
	v7 =	vld.idx.msk [tilespmem:v5+s25+$0x0], $0xffff  }
0xa2: {  	v15 =	vshll.u32 v15, v1;
	v17 =	vshll.u32 v17, v1;
	v5 =	vld.idx.msk [tilespmem:v9+s25+$0x0], $0xffff;
	v9 =	vbroadcast v14, $0x0  }
0xa3: {  	v15 =	vbroadcast v15, $0x0;
	v17 =	vbroadcast v17, $0x0;
	v11 =	vld.idx.msk [tilespmem:v11+s25+$0x0], $0xffff;
	v14 =	vshll.u32 v10, v1  }
0xa4: {  	v10 =	vld.idx.msk [tilespmem:v6+s25+$0x0], $0xffff;
	v6 =	vshll.u32 v16, v1;
	v18 =	vbroadcast v14, $0x0;
	v16 =	vor.u32 v4, v9  }
0xa5: {  	v12 =	vld.idx.msk [tilespmem:v12+s25+$0x0], $0xffff;
	v6 =	vbroadcast v6, $0x0  }
0xa6: {  	s8 =	simm.s32 $0x16040;
	v17 =	vor.u32 v0, v17;
	v14 =	vor.u32 v2, v15;
	v9 =	vld.idx.msk [tilespmem:v13+s25+$0x0], $0xffff;
	v13 =	vor.u32 v0, v18  }
0xa7: {  	s26 =	simm.s32 $0x8;
	s10 =	simm.s32 $0x200;
	s9 =	simm.s32 $0x16040;
	v15 =	vor.u32 v3, v6;
	v6 =	vld.idx.msk [tilespmem:v19+s25+$0x0], $0xffff;
	[tilespmem:s8+$0x30] =	vst v8;
	v8 =	vor.u32 v2, v18  }
.LBB2_8:
0xa8: {  	v19 =	vmov s10;
	s11 =	sadd.s32 $0x80, s10;
	s12 =	sadd.s32 $0xE0, s10;
	s26 =	sadd.s32 $0x8, s26;
	v20 =	vor.u32 v3, v18;
	v21 =	vor.u32 v4, v18;
	[tilespmem:s8+$0x0] =	vst v7  }
0xa9: {  	s29 =	sadd.s32 $0xC0, s10;
	v18 =	vshrl.u32 v19, $0x7;
	v7 =	vmov s11;
	s11 =	sadd.s32 $0xA0, s10;
	v19 =	vmov s12;
	p0 =	slt.u32 s26, $0x1F8;
	v22 =	vld.idx.msk [tilespmem:v16+s25+$0x0], $0xffff;
	[tilespmem:s8+$0x10] =	vst v5  }
0xaa: {  	v16 =	vmov s29;
	v5 =	vmov s11;
	v19 =	vshrl.u32 v19, $0x7;
	[tilespmem:s8+$0x20] =	vst v10  }
0xab: {  	v10 =	vshrl.u32 v7, $0x7;
	v23 =	vshrl.u32 v5, $0x7;
	v5 =	vshll.u32 v19, v1;
	v7 =	vld.idx.msk [tilespmem:v17+s25+$0x0], $0xffff;
	[tilespmem:s8+$0xFFFFFFC0] =	vst v11  }
0xac: {  	v11 =	vshll.u32 v10, v1;
	v10 =	vshrl.u32 v16, $0x7;
	v16 =	vbroadcast v5, $0x0;
	v5 =	vld.idx.msk [tilespmem:v14+s25+$0x0], $0xffff;
	[tilespmem:s8+$0xFFFFFFD0] =	vst v12  }
.Ltmp3:
0xad: {  	v12 =	vshll.u32 v18, v1;
	v14 =	vshll.u32 v23, v1;
	v17 =	vshll.u32 v10, v1;
	v10 =	vld.idx.msk [tilespmem:v15+s25+$0x0], $0xffff;
	(pc) =	sbr.rel @p0 .LBB2_8-.Ltmp3, $4  }
0xae: {  	s8 =	sadd.s32 $0x80, s8;
	v15 =	vbroadcast v11, $0x0;
	v14 =	vbroadcast v14, $0x0;
	v16 =	vor.u32 v4, v16;
	v11 =	vld.idx.msk [tilespmem:v13+s25+$0x0], $0xffff;
	[tilespmem:s9+$0xFFFFFFE0] =	vst v9  }
0xaf: {  	v18 =	vbroadcast v12, $0x0;
	v19 =	vbroadcast v17, $0x0;
	v12 =	vld.idx.msk [tilespmem:v8+s25+$0x0], $0xffff;
	[tilespmem:s8+$0x30] =	vst v22  }
0xb0: {  	v17 =	vor.u32 v0, v15;
	v14 =	vor.u32 v2, v14;
	v9 =	vld.idx.msk [tilespmem:v20+s25+$0x0], $0xffff;
	[tilespmem:s9+$0xFFFFFFF0] =	vst v6;
	s9 =	smov.u32 s8  }
0xb1: {  	s10 =	sadd.s32 $0x100, s10;
	v13 =	vor.u32 v0, v18;
	v8 =	vor.u32 v2, v18;
	v15 =	vor.u32 v3, v19;
	v6 =	vld.idx.msk [tilespmem:v21+s25+$0x0], $0xffff  }
0xb2: {  	_ =	sdelay $0x1  }
0xb3: {  	[tilespmem:s8+$0x0] =	vst v7  }
0xb4: {  	[tilespmem:s8+$0x10] =	vst v5  }
0xb5: {  	v7 =	vld.idx.msk [tilespmem:v16+s25+$0x0], $0xffff;
	[tilespmem:s8+$0x20] =	vst v10  }
0xb6: {  	v5 =	vor.u32 v3, v18;
	v10 =	vld.idx.msk [tilespmem:v17+s25+$0x0], $0xffff;
	[tilespmem:s8+$0xFFFFFFC0] =	vst v11  }
0xb7: {  	v14 =	vld.idx.msk [tilespmem:v14+s25+$0x0], $0xffff;
	v11 =	vor.u32 v4, v18;
	[tilespmem:s8+$0xFFFFFFD0] =	vst v12  }
0xb8: {  	v12 =	vld.idx.msk [tilespmem:v15+s25+$0x0], $0xffff;
	[tilespmem:s9+$0xFFFFFFE0] =	vst v9  }
0xb9: {  	s12 =	sadd.s32 $0x80, s8;
	v9 =	vld.idx.msk [tilespmem:v13+s25+$0x0], $0xffff;
	[tilespmem:s9+$0xFFFFFFF0] =	vst v6  }
0xba: {  	[tilespmem:s12+$0x30] =	vst v7;
	v7 =	vld.idx.msk [tilespmem:v8+s25+$0x0], $0xffff  }
0xbb: {  	v5 =	vld.idx.msk [tilespmem:v5+s25+$0x0], $0xffff;
	[tilespmem:s12+$0x0] =	vst v10  }
0xbc: {  	[tilespmem:s12+$0x10] =	vst v14;
	v6 =	vld.idx.msk [tilespmem:v11+s25+$0x0], $0xffff  }
0xbd: {  	s11 =	simm.s32 $0xA0;
	[tilespmem:s12+$0x20] =	vst v12  }
0xbe: {  	s26 =	simm.s32 $0x0;
	v8 =	vmov s11;
	[tilespmem:s12+$0xFFFFFFC0] =	vst v9  }
0xbf: {  	s10 =	simm.s32 $0xE0;
	v8 =	vshrl.u32 v8, $0x7;
	[tilespmem:s12+$0xFFFFFFD0] =	vst v7;
	v7 =	vmov s26  }
0xc0: {  	s29 =	simm.s32 $0x80;
	s9 =	simm.s32 $0xC0;
	v8 =	vshll.u32 v8, v1;
	[tilespmem:s12+$0xFFFFFFE0] =	vst v5;
	v5 =	vshrl.u32 v7, $0x7;
	v7 =	vmov s10  }
0xc1: {  	v9 =	vmov s9;
	[tilespmem:s12+$0xFFFFFFF0] =	vst v6;
	v6 =	vmov s29;
	v7 =	vshrl.u32 v7, $0x7  }
0xc2: {  	v8 =	vbroadcast v8, $0x0;
	[hbm4b:s13+s20] =	stream.strided.scatter [tilespmem:s1], [sflag:$0x8], $0x2000, s21, s20, $0x38;
	v6 =	vshrl.u32 v6, $0x7;
	v7 =	vshll.u32 v7, v1;
	[tilespmem:$0x18000] =	vst v63  }
0xc3: {  	v9 =	vshrl.u32 v9, $0x7;
	_ =	swait.ge [sflag:s24], $0x4000;
	v6 =	vshll.u32 v6, v1;
	v7 =	vbroadcast v7, $0x0  }
0xc4: {  	v9 =	vshll.u32 v9, v1;
	s10 =	simm.s32 $0x100;
	[sflag:s24] =	ssyncset.done $0x0;
	v6 =	vbroadcast v6, $0x0  }
0xc5: {  	v8 =	vor.u32 v2, v8;
	v9 =	vbroadcast v9, $0x0;
	s12 =	simm.s32 $0x1E0;
	s29 =	simm.s32 $0x1C0;
	[sflag:s24] =	ssyncadd.s32 $0xFFFFC000;
	v7 =	vor.u32 v4, v7  }
0xc6: {  	v5 =	vshll.u32 v5, v1;
	v10 =	vmov s10;
	[tilespmem:s25], [sflag:$0x4] =	stream.strided.gather [hbm4b:s14+s20], $0x4000, s21, s20, $0x38;
	v6 =	vor.u32 v0, v6;
	[tilespmem:$0x18000] =	vst v63  }
0xc7: {  	v14 =	vmov s12;
	v16 =	vmov s29;
	v5 =	vbroadcast v5, $0x0;
	_ =	swait.ge [sflag:s3], $0x2000  }
0xc8: {  	v9 =	vor.u32 v3, v9;
	v10 =	vshrl.u32 v10, $0x7;
	v14 =	vshrl.u32 v14, $0x7;
	[sflag:s3] =	ssyncset.done $0x0  }
0xc9: {  	s11 =	simm.s32 $0x180;
	s26 =	simm.s32 $0x1A0;
	v11 =	vor.u32 v0, v5;
	v12 =	vor.u32 v2, v5;
	v13 =	vor.u32 v3, v5;
	[sflag:s3] =	ssyncadd.s32 $0xFFFFE000  }
0xca: {  	v19 =	vor.u32 v4, v5;
	v5 =	vmov s11;
	v15 =	vld.idx.msk [tilespmem:v7+s2+$0x0], $0xffff;
	v7 =	vmov s26  }
0xcb: {  	v5 =	vshrl.u32 v5, $0x7;
	v17 =	vshrl.u32 v7, $0x7;
	v7 =	vld.idx.msk [tilespmem:v6+s2+$0x0], $0xffff;
	v6 =	vshll.u32 v14, v1  }
0xcc: {  	v16 =	vshrl.u32 v16, $0x7;
	v14 =	vshll.u32 v5, v1;
	v5 =	vld.idx.msk [tilespmem:v8+s2+$0x0], $0xffff;
	v6 =	vbroadcast v6, $0x0  }
0xcd: {  	v8 =	vshll.u32 v10, v1;
	v10 =	vld.idx.msk [tilespmem:v9+s2+$0x0], $0xffff;
	v9 =	vshll.u32 v16, v1;
	v17 =	vshll.u32 v17, v1  }
0xce: {  	v11 =	vld.idx.msk [tilespmem:v11+s2+$0x0], $0xffff;
	v14 =	vbroadcast v14, $0x0;
	v18 =	vbroadcast v8, $0x0;
	v16 =	vor.u32 v4, v6  }
0xcf: {  	v12 =	vld.idx.msk [tilespmem:v12+s2+$0x0], $0xffff;
	v20 =	vbroadcast v17, $0x0;
	v6 =	vbroadcast v9, $0x0  }
0xd0: {  	s8 =	simm.s32 $0x10040;
	v17 =	vor.u32 v0, v14;
	v9 =	vld.idx.msk [tilespmem:v13+s2+$0x0], $0xffff;
	v13 =	vor.u32 v0, v18;
	v8 =	vor.u32 v2, v18  }
0xd1: {  	s9 =	simm.s32 $0x10040;
	s10 =	simm.s32 $0x200;
	s26 =	simm.s32 $0x8;
	[tilespmem:s8+$0x30] =	vst v15;
	v14 =	vor.u32 v2, v20;
	v15 =	vor.u32 v3, v6;
	v6 =	vld.idx.msk [tilespmem:v19+s2+$0x0], $0xffff  }
.LBB2_10:
0xd2: {  	v19 =	vmov s10;
	s11 =	sadd.s32 $0x80, s10;
	s12 =	sadd.s32 $0xE0, s10;
	s26 =	sadd.s32 $0x8, s26;
	v20 =	vor.u32 v3, v18;
	v21 =	vor.u32 v4, v18;
	[tilespmem:s8+$0x0] =	vst v7  }
0xd3: {  	s29 =	sadd.s32 $0xC0, s10;
	v18 =	vshrl.u32 v19, $0x7;
	v7 =	vmov s11;
	s11 =	sadd.s32 $0xA0, s10;
	v19 =	vmov s12;
	p0 =	slt.u32 s26, $0x1F8;
	v22 =	vld.idx.msk [tilespmem:v16+s2+$0x0], $0xffff;
	[tilespmem:s8+$0x10] =	vst v5  }
0xd4: {  	v16 =	vmov s29;
	v5 =	vmov s11;
	v19 =	vshrl.u32 v19, $0x7;
	[tilespmem:s8+$0x20] =	vst v10  }
0xd5: {  	v10 =	vshrl.u32 v7, $0x7;
	v23 =	vshrl.u32 v5, $0x7;
	v5 =	vshll.u32 v19, v1;
	v7 =	vld.idx.msk [tilespmem:v17+s2+$0x0], $0xffff;
	[tilespmem:s8+$0xFFFFFFC0] =	vst v11  }
0xd6: {  	v11 =	vshll.u32 v10, v1;
	v10 =	vshrl.u32 v16, $0x7;
	v16 =	vbroadcast v5, $0x0;
	v5 =	vld.idx.msk [tilespmem:v14+s2+$0x0], $0xffff;
	[tilespmem:s8+$0xFFFFFFD0] =	vst v12  }
.Ltmp4:
0xd7: {  	v12 =	vshll.u32 v18, v1;
	v14 =	vshll.u32 v23, v1;
	v17 =	vshll.u32 v10, v1;
	v10 =	vld.idx.msk [tilespmem:v15+s2+$0x0], $0xffff;
	(pc) =	sbr.rel @p0 .LBB2_10-.Ltmp4, $4  }
0xd8: {  	s8 =	sadd.s32 $0x80, s8;
	v15 =	vbroadcast v11, $0x0;
	v14 =	vbroadcast v14, $0x0;
	v16 =	vor.u32 v4, v16;
	v11 =	vld.idx.msk [tilespmem:v13+s2+$0x0], $0xffff;
	[tilespmem:s9+$0xFFFFFFE0] =	vst v9  }
0xd9: {  	v18 =	vbroadcast v12, $0x0;
	v19 =	vbroadcast v17, $0x0;
	v12 =	vld.idx.msk [tilespmem:v8+s2+$0x0], $0xffff;
	[tilespmem:s8+$0x30] =	vst v22  }
0xda: {  	v17 =	vor.u32 v0, v15;
	v14 =	vor.u32 v2, v14;
	v9 =	vld.idx.msk [tilespmem:v20+s2+$0x0], $0xffff;
	[tilespmem:s9+$0xFFFFFFF0] =	vst v6;
	s9 =	smov.u32 s8  }
0xdb: {  	s10 =	sadd.s32 $0x100, s10;
	v13 =	vor.u32 v0, v18;
	v8 =	vor.u32 v2, v18;
	v15 =	vor.u32 v3, v19;
	v6 =	vld.idx.msk [tilespmem:v21+s2+$0x0], $0xffff  }
0xdc: {  	_ =	sdelay $0x1  }
0xdd: {  	[tilespmem:s8+$0x0] =	vst v7  }
0xde: {  	[tilespmem:s8+$0x10] =	vst v5  }
0xdf: {  	v7 =	vld.idx.msk [tilespmem:v16+s2+$0x0], $0xffff;
	[tilespmem:s8+$0x20] =	vst v10  }
0xe0: {  	v5 =	vor.u32 v3, v18;
	v10 =	vld.idx.msk [tilespmem:v17+s2+$0x0], $0xffff;
	[tilespmem:s8+$0xFFFFFFC0] =	vst v11  }
0xe1: {  	v14 =	vld.idx.msk [tilespmem:v14+s2+$0x0], $0xffff;
	v11 =	vor.u32 v4, v18;
	[tilespmem:s8+$0xFFFFFFD0] =	vst v12  }
0xe2: {  	v12 =	vld.idx.msk [tilespmem:v15+s2+$0x0], $0xffff;
	[tilespmem:s9+$0xFFFFFFE0] =	vst v9  }
0xe3: {  	s8 =	sadd.s32 $0x80, s8;
	v9 =	vld.idx.msk [tilespmem:v13+s2+$0x0], $0xffff;
	[tilespmem:s9+$0xFFFFFFF0] =	vst v6  }
0xe4: {  	[tilespmem:s8+$0x30] =	vst v7;
	v7 =	vld.idx.msk [tilespmem:v8+s2+$0x0], $0xffff  }
0xe5: {  	s12 =	simm.s32 $0x0;
	v5 =	vld.idx.msk [tilespmem:v5+s2+$0x0], $0xffff;
	[tilespmem:s8+$0x0] =	vst v10  }
0xe6: {  	[tilespmem:s8+$0x10] =	vst v14;
	v8 =	vmov s12;
	s12 =	simm.s32 $0x1E0;
	v6 =	vld.idx.msk [tilespmem:v11+s2+$0x0], $0xffff  }
0xe7: {  	v14 =	vmov s12;
	[tilespmem:s8+$0x20] =	vst v12  }
0xe8: {  	s10 =	simm.s32 $0xE0;
	s11 =	simm.s32 $0xA0;
	v14 =	vshrl.u32 v14, $0x7;
	[tilespmem:s8+$0xFFFFFFC0] =	vst v9  }
0xe9: {  	s26 =	simm.s32 $0x80;
	v9 =	vmov s11;
	[tilespmem:s8+$0xFFFFFFD0] =	vst v7;
	v7 =	vshrl.u32 v8, $0x7;
	v8 =	vmov s10  }
0xea: {  	v14 =	vshll.u32 v14, v1;
	[tilespmem:s8+$0xFFFFFFE0] =	vst v5;
	v5 =	vmov s26;
	v8 =	vshrl.u32 v8, $0x7  }
0xeb: {  	s29 =	simm.s32 $0xC0;
	s9 =	simm.s32 $0x10000;
	v9 =	vshrl.u32 v9, $0x7;
	[tilespmem:s8+$0xFFFFFFF0] =	vst v6;
	v5 =	vshrl.u32 v5, $0x7;
	v8 =	vshll.u32 v8, v1  }
0xec: {  	v9 =	vshll.u32 v9, v1;
	[hbm4b:s15+s20] =	stream.strided.scatter [tilespmem:s9], [sflag:$0x5], $0x2000, s21, s20, $0x38;
	v5 =	vshll.u32 v5, v1;
	v8 =	vbroadcast v8, $0x0;
	[tilespmem:$0x18000] =	vst v63  }
0xed: {  	v6 =	vmov s29;
	v7 =	vshll.u32 v7, v1;
	_ =	swait.ge [sflag:s28], $0x4000;
	v5 =	vbroadcast v5, $0x0  }
0xee: {  	v9 =	vbroadcast v9, $0x0;
	v6 =	vshrl.u32 v6, $0x7;
	[sflag:s28] =	ssyncset.done $0x0;
	v8 =	vor.u32 v4, v8  }
0xef: {  	s10 =	simm.s32 $0x100;
	v7 =	vbroadcast v7, $0x0;
	v6 =	vshll.u32 v6, v1;
	[sflag:s28] =	ssyncadd.s32 $0xFFFFC000;
	v5 =	vor.u32 v0, v5  }
0xf0: {  	s26 =	simm.s32 $0x1A0;
	v10 =	vmov s10;
	v9 =	vor.u32 v2, v9;
	v6 =	vbroadcast v6, $0x0;
	_ =	swait.ge [sflag:s4], $0x2000  }
0xf1: {  	s29 =	simm.s32 $0x1C0;
	v15 =	vmov s26;
	v10 =	vshrl.u32 v10, $0x7;
	v11 =	vor.u32 v0, v7;
	[sflag:s4] =	ssyncset.done $0x0  }
0xf2: {  	s11 =	simm.s32 $0x180;
	v16 =	vmov s29;
	v12 =	vor.u32 v2, v7;
	v6 =	vor.u32 v3, v6;
	[sflag:s4] =	ssyncadd.s32 $0xFFFFE000  }
0xf3: {  	v13 =	vor.u32 v3, v7;
	v19 =	vor.u32 v4, v7;
	v7 =	vmov s11;
	v8 =	vld.idx.msk [tilespmem:v8+s22+$0x0], $0xffff  }
0xf4: {  	v15 =	vshrl.u32 v15, $0x7;
	v16 =	vshrl.u32 v16, $0x7;
	v17 =	vshrl.u32 v7, $0x7;
	v7 =	vld.idx.msk [tilespmem:v5+s22+$0x0], $0xffff  }
0xf5: {  	v15 =	vshll.u32 v15, v1;
	v17 =	vshll.u32 v17, v1;
	v5 =	vld.idx.msk [tilespmem:v9+s22+$0x0], $0xffff;
	v9 =	vbroadcast v14, $0x0  }
0xf6: {  	v15 =	vbroadcast v15, $0x0;
	v17 =	vbroadcast v17, $0x0;
	v11 =	vld.idx.msk [tilespmem:v11+s22+$0x0], $0xffff;
	v14 =	vshll.u32 v10, v1  }
0xf7: {  	v10 =	vld.idx.msk [tilespmem:v6+s22+$0x0], $0xffff;
	v6 =	vshll.u32 v16, v1;
	v18 =	vbroadcast v14, $0x0;
	v16 =	vor.u32 v4, v9  }
0xf8: {  	v12 =	vld.idx.msk [tilespmem:v12+s22+$0x0], $0xffff;
	v6 =	vbroadcast v6, $0x0  }
0xf9: {  	s8 =	simm.s32 $0x12040;
	v17 =	vor.u32 v0, v17;
	v14 =	vor.u32 v2, v15;
	v9 =	vld.idx.msk [tilespmem:v13+s22+$0x0], $0xffff;
	v13 =	vor.u32 v0, v18  }
0xfa: {  	s26 =	simm.s32 $0x8;
	s10 =	simm.s32 $0x200;
	s9 =	simm.s32 $0x12040;
	v15 =	vor.u32 v3, v6;
	v6 =	vld.idx.msk [tilespmem:v19+s22+$0x0], $0xffff;
	[tilespmem:s8+$0x30] =	vst v8;
	v8 =	vor.u32 v2, v18  }
.LBB2_12:
0xfb: {  	v19 =	vmov s10;
	s11 =	sadd.s32 $0x80, s10;
	s12 =	sadd.s32 $0xE0, s10;
	s26 =	sadd.s32 $0x8, s26;
	v20 =	vor.u32 v3, v18;
	v21 =	vor.u32 v4, v18;
	[tilespmem:s8+$0x0] =	vst v7  }
0xfc: {  	s29 =	sadd.s32 $0xC0, s10;
	v18 =	vshrl.u32 v19, $0x7;
	v7 =	vmov s11;
	s11 =	sadd.s32 $0xA0, s10;
	v19 =	vmov s12;
	p0 =	slt.u32 s26, $0x1F8;
	v22 =	vld.idx.msk [tilespmem:v16+s22+$0x0], $0xffff;
	[tilespmem:s8+$0x10] =	vst v5  }
0xfd: {  	v16 =	vmov s29;
	v5 =	vmov s11;
	v19 =	vshrl.u32 v19, $0x7;
	[tilespmem:s8+$0x20] =	vst v10  }
0xfe: {  	v10 =	vshrl.u32 v7, $0x7;
	v23 =	vshrl.u32 v5, $0x7;
	v5 =	vshll.u32 v19, v1;
	v7 =	vld.idx.msk [tilespmem:v17+s22+$0x0], $0xffff;
	[tilespmem:s8+$0xFFFFFFC0] =	vst v11  }
0xff: {  	v11 =	vshll.u32 v10, v1;
	v10 =	vshrl.u32 v16, $0x7;
	v16 =	vbroadcast v5, $0x0;
	v5 =	vld.idx.msk [tilespmem:v14+s22+$0x0], $0xffff;
	[tilespmem:s8+$0xFFFFFFD0] =	vst v12  }
.Ltmp5:
0x100: {  	v12 =	vshll.u32 v18, v1;
	v14 =	vshll.u32 v23, v1;
	v17 =	vshll.u32 v10, v1;
	v10 =	vld.idx.msk [tilespmem:v15+s22+$0x0], $0xffff;
	(pc) =	sbr.rel @p0 .LBB2_12-.Ltmp5, $4  }
0x101: {  	s8 =	sadd.s32 $0x80, s8;
	v15 =	vbroadcast v11, $0x0;
	v14 =	vbroadcast v14, $0x0;
	v16 =	vor.u32 v4, v16;
	v11 =	vld.idx.msk [tilespmem:v13+s22+$0x0], $0xffff;
	[tilespmem:s9+$0xFFFFFFE0] =	vst v9  }
0x102: {  	v18 =	vbroadcast v12, $0x0;
	v19 =	vbroadcast v17, $0x0;
	v12 =	vld.idx.msk [tilespmem:v8+s22+$0x0], $0xffff;
	[tilespmem:s8+$0x30] =	vst v22  }
0x103: {  	v17 =	vor.u32 v0, v15;
	v14 =	vor.u32 v2, v14;
	v9 =	vld.idx.msk [tilespmem:v20+s22+$0x0], $0xffff;
	[tilespmem:s9+$0xFFFFFFF0] =	vst v6;
	s9 =	smov.u32 s8  }
0x104: {  	s10 =	sadd.s32 $0x100, s10;
	v13 =	vor.u32 v0, v18;
	v8 =	vor.u32 v2, v18;
	v15 =	vor.u32 v3, v19;
	v6 =	vld.idx.msk [tilespmem:v21+s22+$0x0], $0xffff  }
0x105: {  	_ =	sdelay $0x1  }
0x106: {  	[tilespmem:s8+$0x0] =	vst v7  }
0x107: {  	[tilespmem:s8+$0x10] =	vst v5  }
0x108: {  	v7 =	vld.idx.msk [tilespmem:v16+s22+$0x0], $0xffff;
	[tilespmem:s8+$0x20] =	vst v10  }
0x109: {  	v5 =	vor.u32 v3, v18;
	v10 =	vld.idx.msk [tilespmem:v17+s22+$0x0], $0xffff;
	[tilespmem:s8+$0xFFFFFFC0] =	vst v11  }
0x10a: {  	v14 =	vld.idx.msk [tilespmem:v14+s22+$0x0], $0xffff;
	v11 =	vor.u32 v4, v18;
	[tilespmem:s8+$0xFFFFFFD0] =	vst v12  }
0x10b: {  	v12 =	vld.idx.msk [tilespmem:v15+s22+$0x0], $0xffff;
	[tilespmem:s9+$0xFFFFFFE0] =	vst v9  }
0x10c: {  	s8 =	sadd.s32 $0x80, s8;
	v9 =	vld.idx.msk [tilespmem:v13+s22+$0x0], $0xffff;
	[tilespmem:s9+$0xFFFFFFF0] =	vst v6  }
0x10d: {  	[tilespmem:s8+$0x30] =	vst v7;
	v7 =	vld.idx.msk [tilespmem:v8+s22+$0x0], $0xffff  }
0x10e: {  	s12 =	simm.s32 $0x0;
	v5 =	vld.idx.msk [tilespmem:v5+s22+$0x0], $0xffff;
	[tilespmem:s8+$0x0] =	vst v10  }
0x10f: {  	[tilespmem:s8+$0x10] =	vst v14;
	v8 =	vmov s12;
	s12 =	simm.s32 $0x1E0;
	v6 =	vld.idx.msk [tilespmem:v11+s22+$0x0], $0xffff  }
0x110: {  	v14 =	vmov s12;
	[tilespmem:s8+$0x20] =	vst v12  }
0x111: {  	s10 =	simm.s32 $0xE0;
	s11 =	simm.s32 $0xA0;
	v14 =	vshrl.u32 v14, $0x7;
	[tilespmem:s8+$0xFFFFFFC0] =	vst v9  }
0x112: {  	s26 =	simm.s32 $0x80;
	v9 =	vmov s11;
	[tilespmem:s8+$0xFFFFFFD0] =	vst v7;
	v7 =	vshrl.u32 v8, $0x7;
	v8 =	vmov s10  }
0x113: {  	v14 =	vshll.u32 v14, v1;
	[tilespmem:s8+$0xFFFFFFE0] =	vst v5;
	v5 =	vmov s26;
	v8 =	vshrl.u32 v8, $0x7  }
0x114: {  	s29 =	simm.s32 $0xC0;
	s9 =	simm.s32 $0x12000;
	v9 =	vshrl.u32 v9, $0x7;
	[tilespmem:s8+$0xFFFFFFF0] =	vst v6;
	v5 =	vshrl.u32 v5, $0x7;
	v8 =	vshll.u32 v8, v1  }
0x115: {  	v9 =	vshll.u32 v9, v1;
	[hbm4b:s16+s20] =	stream.strided.scatter [tilespmem:s9], [sflag:$0x6], $0x2000, s21, s20, $0x38;
	v5 =	vshll.u32 v5, v1;
	v8 =	vbroadcast v8, $0x0;
	[tilespmem:$0x18000] =	vst v63  }
0x116: {  	v6 =	vmov s29;
	v7 =	vshll.u32 v7, v1;
	_ =	swait.ge [sflag:s30], $0x4000;
	v5 =	vbroadcast v5, $0x0  }
0x117: {  	v9 =	vbroadcast v9, $0x0;
	v6 =	vshrl.u32 v6, $0x7;
	[sflag:s30] =	ssyncset.done $0x0;
	v8 =	vor.u32 v4, v8  }
0x118: {  	s10 =	simm.s32 $0x100;
	v7 =	vbroadcast v7, $0x0;
	v6 =	vshll.u32 v6, v1;
	[sflag:s30] =	ssyncadd.s32 $0xFFFFC000;
	v5 =	vor.u32 v0, v5  }
0x119: {  	s26 =	simm.s32 $0x1A0;
	v10 =	vmov s10;
	v9 =	vor.u32 v2, v9;
	v6 =	vbroadcast v6, $0x0;
	_ =	swait.ge [sflag:s5], $0x2000  }
0x11a: {  	s29 =	simm.s32 $0x1C0;
	v15 =	vmov s26;
	v10 =	vshrl.u32 v10, $0x7;
	v11 =	vor.u32 v0, v7;
	[sflag:s5] =	ssyncset.done $0x0  }
0x11b: {  	s11 =	simm.s32 $0x180;
	v16 =	vmov s29;
	v12 =	vor.u32 v2, v7;
	v6 =	vor.u32 v3, v6;
	[sflag:s5] =	ssyncadd.s32 $0xFFFFE000  }
0x11c: {  	v13 =	vor.u32 v3, v7;
	v19 =	vor.u32 v4, v7;
	v7 =	vmov s11;
	v8 =	vld.idx.msk [tilespmem:v8+s23+$0x0], $0xffff  }
0x11d: {  	v15 =	vshrl.u32 v15, $0x7;
	v16 =	vshrl.u32 v16, $0x7;
	v17 =	vshrl.u32 v7, $0x7;
	v7 =	vld.idx.msk [tilespmem:v5+s23+$0x0], $0xffff  }
0x11e: {  	v15 =	vshll.u32 v15, v1;
	v17 =	vshll.u32 v17, v1;
	v5 =	vld.idx.msk [tilespmem:v9+s23+$0x0], $0xffff;
	v9 =	vbroadcast v14, $0x0  }
0x11f: {  	v15 =	vbroadcast v15, $0x0;
	v17 =	vbroadcast v17, $0x0;
	v11 =	vld.idx.msk [tilespmem:v11+s23+$0x0], $0xffff;
	v14 =	vshll.u32 v10, v1  }
0x120: {  	v10 =	vld.idx.msk [tilespmem:v6+s23+$0x0], $0xffff;
	v6 =	vshll.u32 v16, v1;
	v18 =	vbroadcast v14, $0x0;
	v16 =	vor.u32 v4, v9  }
0x121: {  	v12 =	vld.idx.msk [tilespmem:v12+s23+$0x0], $0xffff;
	v6 =	vbroadcast v6, $0x0  }
0x122: {  	s8 =	simm.s32 $0x14040;
	v17 =	vor.u32 v0, v17;
	v14 =	vor.u32 v2, v15;
	v9 =	vld.idx.msk [tilespmem:v13+s23+$0x0], $0xffff;
	v13 =	vor.u32 v0, v18  }
0x123: {  	s26 =	simm.s32 $0x8;
	s10 =	simm.s32 $0x200;
	s9 =	simm.s32 $0x14040;
	v15 =	vor.u32 v3, v6;
	v6 =	vld.idx.msk [tilespmem:v19+s23+$0x0], $0xffff;
	[tilespmem:s8+$0x30] =	vst v8;
	v8 =	vor.u32 v2, v18  }
.LBB2_14:
0x124: {  	v19 =	vmov s10;
	s11 =	sadd.s32 $0x80, s10;
	s12 =	sadd.s32 $0xE0, s10;
	s26 =	sadd.s32 $0x8, s26;
	v20 =	vor.u32 v3, v18;
	v21 =	vor.u32 v4, v18;
	[tilespmem:s8+$0x0] =	vst v7  }
0x125: {  	s29 =	sadd.s32 $0xC0, s10;
	v18 =	vshrl.u32 v19, $0x7;
	v7 =	vmov s11;
	s11 =	sadd.s32 $0xA0, s10;
	v19 =	vmov s12;
	p0 =	slt.u32 s26, $0x1F8;
	v22 =	vld.idx.msk [tilespmem:v16+s23+$0x0], $0xffff;
	[tilespmem:s8+$0x10] =	vst v5  }
0x126: {  	v16 =	vmov s29;
	v5 =	vmov s11;
	v19 =	vshrl.u32 v19, $0x7;
	[tilespmem:s8+$0x20] =	vst v10  }
0x127: {  	v10 =	vshrl.u32 v7, $0x7;
	v23 =	vshrl.u32 v5, $0x7;
	v5 =	vshll.u32 v19, v1;
	v7 =	vld.idx.msk [tilespmem:v17+s23+$0x0], $0xffff;
	[tilespmem:s8+$0xFFFFFFC0] =	vst v11  }
0x128: {  	v11 =	vshll.u32 v10, v1;
	v10 =	vshrl.u32 v16, $0x7;
	v16 =	vbroadcast v5, $0x0;
	v5 =	vld.idx.msk [tilespmem:v14+s23+$0x0], $0xffff;
	[tilespmem:s8+$0xFFFFFFD0] =	vst v12  }
.Ltmp6:
0x129: {  	v12 =	vshll.u32 v18, v1;
	v14 =	vshll.u32 v23, v1;
	v17 =	vshll.u32 v10, v1;
	v10 =	vld.idx.msk [tilespmem:v15+s23+$0x0], $0xffff;
	(pc) =	sbr.rel @p0 .LBB2_14-.Ltmp6, $4  }
0x12a: {  	s8 =	sadd.s32 $0x80, s8;
	v15 =	vbroadcast v11, $0x0;
	v14 =	vbroadcast v14, $0x0;
	v16 =	vor.u32 v4, v16;
	v11 =	vld.idx.msk [tilespmem:v13+s23+$0x0], $0xffff;
	[tilespmem:s9+$0xFFFFFFE0] =	vst v9  }
0x12b: {  	v18 =	vbroadcast v12, $0x0;
	v19 =	vbroadcast v17, $0x0;
	v12 =	vld.idx.msk [tilespmem:v8+s23+$0x0], $0xffff;
	[tilespmem:s8+$0x30] =	vst v22  }
0x12c: {  	v17 =	vor.u32 v0, v15;
	v14 =	vor.u32 v2, v14;
	v9 =	vld.idx.msk [tilespmem:v20+s23+$0x0], $0xffff;
	[tilespmem:s9+$0xFFFFFFF0] =	vst v6;
	s9 =	smov.u32 s8  }
0x12d: {  	s10 =	sadd.s32 $0x100, s10;
	v13 =	vor.u32 v0, v18;
	v8 =	vor.u32 v2, v18;
	v15 =	vor.u32 v3, v19;
	v6 =	vld.idx.msk [tilespmem:v21+s23+$0x0], $0xffff  }
0x12e: {  	_ =	sdelay $0x1  }
0x12f: {  	[tilespmem:s8+$0x0] =	vst v7  }
0x130: {  	[tilespmem:s8+$0x10] =	vst v5  }
0x131: {  	v7 =	vld.idx.msk [tilespmem:v16+s23+$0x0], $0xffff;
	[tilespmem:s8+$0x20] =	vst v10  }
0x132: {  	v5 =	vor.u32 v3, v18;
	v10 =	vld.idx.msk [tilespmem:v17+s23+$0x0], $0xffff;
	[tilespmem:s8+$0xFFFFFFC0] =	vst v11  }
0x133: {  	v14 =	vld.idx.msk [tilespmem:v14+s23+$0x0], $0xffff;
	v11 =	vor.u32 v4, v18;
	[tilespmem:s8+$0xFFFFFFD0] =	vst v12  }
0x134: {  	v12 =	vld.idx.msk [tilespmem:v15+s23+$0x0], $0xffff;
	[tilespmem:s9+$0xFFFFFFE0] =	vst v9  }
0x135: {  	s8 =	sadd.s32 $0x80, s8;
	v9 =	vld.idx.msk [tilespmem:v13+s23+$0x0], $0xffff;
	[tilespmem:s9+$0xFFFFFFF0] =	vst v6  }
0x136: {  	[tilespmem:s8+$0x30] =	vst v7;
	v7 =	vld.idx.msk [tilespmem:v8+s23+$0x0], $0xffff  }
0x137: {  	s12 =	simm.s32 $0x0;
	v5 =	vld.idx.msk [tilespmem:v5+s23+$0x0], $0xffff;
	[tilespmem:s8+$0x0] =	vst v10  }
0x138: {  	[tilespmem:s8+$0x10] =	vst v14;
	v8 =	vmov s12;
	s12 =	simm.s32 $0x1E0;
	v6 =	vld.idx.msk [tilespmem:v11+s23+$0x0], $0xffff  }
0x139: {  	v14 =	vmov s12;
	[tilespmem:s8+$0x20] =	vst v12  }
0x13a: {  	s10 =	simm.s32 $0xE0;
	s11 =	simm.s32 $0xA0;
	v14 =	vshrl.u32 v14, $0x7;
	[tilespmem:s8+$0xFFFFFFC0] =	vst v9  }
0x13b: {  	s26 =	simm.s32 $0x80;
	v9 =	vmov s11;
	[tilespmem:s8+$0xFFFFFFD0] =	vst v7;
	v7 =	vshrl.u32 v8, $0x7;
	v8 =	vmov s10  }
0x13c: {  	v14 =	vshll.u32 v14, v1;
	[tilespmem:s8+$0xFFFFFFE0] =	vst v5;
	v5 =	vmov s26;
	v8 =	vshrl.u32 v8, $0x7  }
0x13d: {  	s29 =	simm.s32 $0xC0;
	v9 =	vshrl.u32 v9, $0x7;
	[tilespmem:s8+$0xFFFFFFF0] =	vst v6;
	v5 =	vshrl.u32 v5, $0x7;
	v8 =	vshll.u32 v8, v1  }
0x13e: {  	v9 =	vshll.u32 v9, v1;
	[hbm4b:s17+s20] =	stream.strided.scatter [tilespmem:s31], [sflag:$0x7], $0x2000, s21, s20, $0x38;
	v5 =	vshll.u32 v5, v1;
	v8 =	vbroadcast v8, $0x0;
	[tilespmem:$0x18000] =	vst v63  }
0x13f: {  	v6 =	vmov s29;
	v7 =	vshll.u32 v7, v1;
	_ =	swait.ge [sflag:s0], $0x4000;
	v5 =	vbroadcast v5, $0x0  }
0x140: {  	v9 =	vbroadcast v9, $0x0;
	v6 =	vshrl.u32 v6, $0x7;
	[sflag:s0] =	ssyncset.done $0x0;
	v8 =	vor.u32 v4, v8  }
0x141: {  	s10 =	simm.s32 $0x100;
	v7 =	vbroadcast v7, $0x0;
	v6 =	vshll.u32 v6, v1;
	[sflag:s0] =	ssyncadd.s32 $0xFFFFC000;
	v5 =	vor.u32 v0, v5  }
0x142: {  	s26 =	simm.s32 $0x1A0;
	v10 =	vmov s10;
	v9 =	vor.u32 v2, v9;
	v6 =	vbroadcast v6, $0x0;
	_ =	swait.ge [sflag:s6], $0x2000  }
0x143: {  	s29 =	simm.s32 $0x1C0;
	v15 =	vmov s26;
	v10 =	vshrl.u32 v10, $0x7;
	v11 =	vor.u32 v0, v7;
	[sflag:s6] =	ssyncset.done $0x0  }
0x144: {  	s11 =	simm.s32 $0x180;
	v16 =	vmov s29;
	v12 =	vor.u32 v2, v7;
	v6 =	vor.u32 v3, v6;
	[sflag:s6] =	ssyncadd.s32 $0xFFFFE000  }
0x145: {  	v13 =	vor.u32 v3, v7;
	v19 =	vor.u32 v4, v7;
	v7 =	vmov s11;
	v8 =	vld.idx.msk [tilespmem:v8+s25+$0x0], $0xffff  }
0x146: {  	v15 =	vshrl.u32 v15, $0x7;
	v16 =	vshrl.u32 v16, $0x7;
	v17 =	vshrl.u32 v7, $0x7;
	v7 =	vld.idx.msk [tilespmem:v5+s25+$0x0], $0xffff  }
0x147: {  	v15 =	vshll.u32 v15, v1;
	v17 =	vshll.u32 v17, v1;
	v5 =	vld.idx.msk [tilespmem:v9+s25+$0x0], $0xffff;
	v9 =	vbroadcast v14, $0x0  }
0x148: {  	v15 =	vbroadcast v15, $0x0;
	v17 =	vbroadcast v17, $0x0;
	v11 =	vld.idx.msk [tilespmem:v11+s25+$0x0], $0xffff;
	v14 =	vshll.u32 v10, v1  }
0x149: {  	v10 =	vld.idx.msk [tilespmem:v6+s25+$0x0], $0xffff;
	v6 =	vshll.u32 v16, v1;
	v18 =	vbroadcast v14, $0x0;
	v16 =	vor.u32 v4, v9  }
0x14a: {  	v12 =	vld.idx.msk [tilespmem:v12+s25+$0x0], $0xffff;
	v6 =	vbroadcast v6, $0x0  }
0x14b: {  	s8 =	simm.s32 $0x16040;
	v17 =	vor.u32 v0, v17;
	v14 =	vor.u32 v2, v15;
	v9 =	vld.idx.msk [tilespmem:v13+s25+$0x0], $0xffff;
	v13 =	vor.u32 v0, v18  }
0x14c: {  	s9 =	simm.s32 $0x16040;
	s26 =	simm.s32 $0x8;
	s10 =	simm.s32 $0x200;
	v15 =	vor.u32 v3, v6;
	v6 =	vld.idx.msk [tilespmem:v19+s25+$0x0], $0xffff;
	[tilespmem:s8+$0x30] =	vst v8;
	v8 =	vor.u32 v2, v18  }
.LBB2_16:
0x14d: {  	v19 =	vmov s10;
	s11 =	sadd.s32 $0x80, s10;
	s12 =	sadd.s32 $0xE0, s10;
	s26 =	sadd.s32 $0x8, s26;
	v20 =	vor.u32 v3, v18;
	v21 =	vor.u32 v4, v18;
	[tilespmem:s8+$0x0] =	vst v7  }
0x14e: {  	s29 =	sadd.s32 $0xC0, s10;
	v18 =	vshrl.u32 v19, $0x7;
	v7 =	vmov s11;
	s11 =	sadd.s32 $0xA0, s10;
	v19 =	vmov s12;
	p0 =	slt.u32 s26, $0x1F8;
	v22 =	vld.idx.msk [tilespmem:v16+s25+$0x0], $0xffff;
	[tilespmem:s8+$0x10] =	vst v5  }
0x14f: {  	v16 =	vmov s29;
	v5 =	vmov s11;
	v19 =	vshrl.u32 v19, $0x7;
	[tilespmem:s8+$0x20] =	vst v10  }
0x150: {  	v10 =	vshrl.u32 v7, $0x7;
	v23 =	vshrl.u32 v5, $0x7;
	v5 =	vshll.u32 v19, v1;
	v7 =	vld.idx.msk [tilespmem:v17+s25+$0x0], $0xffff;
	[tilespmem:s8+$0xFFFFFFC0] =	vst v11  }
0x151: {  	v11 =	vshll.u32 v10, v1;
	v10 =	vshrl.u32 v16, $0x7;
	v16 =	vbroadcast v5, $0x0;
	v5 =	vld.idx.msk [tilespmem:v14+s25+$0x0], $0xffff;
	[tilespmem:s8+$0xFFFFFFD0] =	vst v12  }
.Ltmp7:
0x152: {  	v12 =	vshll.u32 v18, v1;
	v14 =	vshll.u32 v23, v1;
	v17 =	vshll.u32 v10, v1;
	v10 =	vld.idx.msk [tilespmem:v15+s25+$0x0], $0xffff;
	(pc) =	sbr.rel @p0 .LBB2_16-.Ltmp7, $4  }
0x153: {  	s8 =	sadd.s32 $0x80, s8;
	v15 =	vbroadcast v11, $0x0;
	v14 =	vbroadcast v14, $0x0;
	v16 =	vor.u32 v4, v16;
	v11 =	vld.idx.msk [tilespmem:v13+s25+$0x0], $0xffff;
	[tilespmem:s9+$0xFFFFFFE0] =	vst v9  }
0x154: {  	v18 =	vbroadcast v12, $0x0;
	v19 =	vbroadcast v17, $0x0;
	v12 =	vld.idx.msk [tilespmem:v8+s25+$0x0], $0xffff;
	[tilespmem:s8+$0x30] =	vst v22  }
0x155: {  	v17 =	vor.u32 v0, v15;
	v14 =	vor.u32 v2, v14;
	v9 =	vld.idx.msk [tilespmem:v20+s25+$0x0], $0xffff;
	[tilespmem:s9+$0xFFFFFFF0] =	vst v6;
	s9 =	smov.u32 s8  }
0x156: {  	s10 =	sadd.s32 $0x100, s10;
	v13 =	vor.u32 v0, v18;
	v8 =	vor.u32 v2, v18;
	v15 =	vor.u32 v3, v19;
	v6 =	vld.idx.msk [tilespmem:v21+s25+$0x0], $0xffff  }
0x157: {  	_ =	sdelay $0x1  }
0x158: {  	[tilespmem:s8+$0x0] =	vst v7  }
0x159: {  	[tilespmem:s8+$0x10] =	vst v5  }
0x15a: {  	v7 =	vld.idx.msk [tilespmem:v16+s25+$0x0], $0xffff;
	[tilespmem:s8+$0x20] =	vst v10  }
0x15b: {  	v5 =	vor.u32 v3, v18;
	v60 =	vld.idx.msk [tilespmem:v17+s25+$0x0], $0xffff;
	[tilespmem:s8+$0xFFFFFFC0] =	vst v11  }
0x15c: {  	v61 =	vor.u32 v4, v18;
	v14 =	vld.idx.msk [tilespmem:v14+s25+$0x0], $0xffff;
	[tilespmem:s8+$0xFFFFFFD0] =	vst v12  }
0x15d: {  	v62 =	vld.idx.msk [tilespmem:v15+s25+$0x0], $0xffff;
	[tilespmem:s9+$0xFFFFFFE0] =	vst v9  }
0x15e: {  	s29 =	sadd.s32 $0x80, s8;
	v63 =	vld.idx.msk [tilespmem:v13+s25+$0x0], $0xffff;
	[tilespmem:s9+$0xFFFFFFF0] =	vst v6  }
0x15f: {  	[tilespmem:s29+$0x30] =	vst v7;
	v7 =	vld.idx.msk [tilespmem:v8+s25+$0x0], $0xffff  }
0x160: {  	v5 =	vld.idx.msk [tilespmem:v5+s25+$0x0], $0xffff;
	[tilespmem:s29+$0x0] =	vst v60  }
0x161: {  	v6 =	vld.idx.msk [tilespmem:v61+s25+$0x0], $0xffff;
	[tilespmem:s29+$0x10] =	vst v14  }
0x162: {  	[tilespmem:s29+$0x20] =	vst v62  }
0x163: {  	[tilespmem:s29+$0xFFFFFFC0] =	vst v63  }
0x164: {  	[tilespmem:s29+$0xFFFFFFD0] =	vst v7  }
0x165: {  	[tilespmem:s29+$0xFFFFFFE0] =	vst v5  }
0x166: {  	[tilespmem:s29+$0xFFFFFFF0] =	vst v6  }
0x167: {  	[hbm4b:s18+s20] =	stream.strided.scatter [tilespmem:s1], [sflag:$0x8], $0x2000, s21, s20, $0x38;
	[tilespmem:$0x18000] =	vst v63  }
0x168: {  	_ =	swait.ge [sflag:s3], $0x2000  }
0x169: {  	[sflag:s3] =	ssyncset.done $0x0  }
0x16a: {  	[sflag:s3] =	ssyncadd.s32 $0xFFFFE000  }
0x16b: {  	_ =	swait.ge [sflag:s4], $0x2000  }
0x16c: {  	[sflag:s4] =	ssyncset.done $0x0  }
0x16d: {  	s7 =	sadd.s32 $0x1, s7;
	[sflag:s4] =	ssyncadd.s32 $0xFFFFE000  }
0x16e: {  	p0 =	sne.s32 s7, s19;
	_ =	swait.ge [sflag:s5], $0x2000  }
.Ltmp8:
0x16f: {  	[sflag:s5] =	ssyncset.done $0x0;
	(pc) =	sbr.rel @p0 .LBB2_1-.Ltmp8, $4  }
0x170: {  	[sflag:s5] =	ssyncadd.s32 $0xFFFFE000  }
0x171: {  	_ =	swait.ge [sflag:s6], $0x2000  }
0x172: {  	[sflag:s6] =	ssyncset.done $0x0  }
0x173: {  	[sflag:s6] =	ssyncadd.s32 $0xFFFFE000  }
0x174: {  	_ =	sfence.sel $0x180000  }
0x175: {  	[bflag:$0x0] =	sbarrier.arrive $0xFFFF  }
0x176: {  	_ =	strace $0x90000047  }
0x177: {  	s0 =	stileid.u32;
	[bflag:$0x2] =	sbarrier.arrive $0xFFFF  }
0x178: {  	p0 =	sne.s32 s0, $0x0;
	s0 =	rddreg [dreg:$0x2]  }
0x179: {  	s0 =	sadd.s32 @!p0 $0x100000, s0  }
0x17a: {  	[sflag:s0] =	ssyncadd.tile.s32 @!p0 $0x1;
	_ =	shalt  }
.Lfunc_end2:
_tile_overlayer_lowered:
.L_overlay_start_2:
0x17b: {  	(tag) =	ssettag $0x2  }
0x17c: {  	s0 =	rddreg [dreg:$0x0];
	s2 =	stileid.u32  }
0x17d: {  	s1 =	rddreg [dreg:$0x1];
	p0 =	sne.s32 s2, $0x0  }
0x17e: {  	s3 =	rddreg [dreg:$0x2];
	[bflag:$0x3] =	sbarrier.arrive $0xFFFF;
	s2 =	simm.s32 @!p0 $0x1C09  }
0x17f: {  	[timem:s3], [sflag:s2] =	dma.local @!p0 [hbm:s0], s1  }
0x180: {  	s0 =	simm.s32 @!p0 $0x9  }
0x181: {  	_ =	swait.ge @!p0 [sflag:s0], s1  }
0x182: {  	s1 =	ssub.s32 @!p0 $0x0, s1;
	[sflag:s0] =	ssyncset.done @!p0 $0x0  }
0x183: {  	[sflag:s0] =	ssyncadd.s32 @!p0 s1  }
0x184: {  	[bflag:$0x3] =	sbarrier.arrive $0xFFFF  }
0x185: {  	_ =	shalt  }

</sc_bundles>
